<compile_context>
chip_gen: v7x
topology: tpu7x:2x2x1
jax: 0.10.2.dev20260603
libtpu: 0.0.44.dev20260713+nightly
codegen_flags: <defaults>
</compile_context>

<pallas_src>
import math

import jax
import jax.numpy as jnp
from jax import lax
from jax.experimental import pallas as pl
from jax.experimental.pallas import tpu as pltpu
from jax.experimental.pallas import tpu_sc as plsc

D = 64
SCALE = math.sqrt(D)
NC, NS = 2, 16
NW = NC * NS
G = 128
K = 4


def _emb_body(idx_hbm, table_hbm, out_hbm, idx_v, rows_v, gs0, gs1, os0, os1):
    n_grp = idx_hbm.shape[0]
    grp_per_w = n_grp // NW
    iters = grp_per_w // K
    wid = lax.axis_index("s") * NC + lax.axis_index("c")
    gbase = wid * grp_per_w
    gsem = [gs0, gs1]
    osem = [os0, os1]

    def stage_idx(slot, g):
        pltpu.sync_copy(idx_hbm.at[pl.ds(gbase + g * K, K)], idx_v.at[slot])

    def fire_gathers(slot):
        for j in range(K):
            pltpu.async_copy(
                table_hbm.at[idx_v.at[slot].at[j]], rows_v.at[slot].at[j],
                gsem[slot])

    def drain_gathers(slot):
        for j in range(K):
            pltpu.make_async_copy(
                table_hbm.at[idx_v.at[slot].at[j]], rows_v.at[slot].at[j],
                gsem[slot]).wait()

    def fire_out(slot, g):
        pltpu.async_copy(
            rows_v.at[slot], out_hbm.at[pl.ds(gbase + g * K, K)], osem[slot])

    def drain_out(slot):
        pltpu.make_async_copy(
            rows_v.at[slot], out_hbm.at[pl.ds(0, K)], osem[slot]).wait()

    def scale_rows(slot):
        def body(i, carry):
            for j in range(K):
                for k in range(D // 16):
                    sl = pl.ds(k * 16, 16)
                    rows_v[slot, j, i, sl] = rows_v[slot, j, i, sl] * SCALE
            return carry
        lax.fori_loop(0, G, body, None)

    stage_idx(0, 0)
    fire_gathers(0)

    def pair(p, carry):
        for b in range(2):
            nb = 1 - b
            g = p * 2 + b
            drain_gathers(b)

            @pl.when(g + 1 < iters)
            def _():
                stage_idx(nb, g + 1)

                @pl.when(g >= 1)
                def _():
                    drain_out(nb)
                fire_gathers(nb)

            scale_rows(b)
            fire_out(b, g)
        return carry

    lax.fori_loop(0, iters // 2, pair, None)
    drain_out((iters - 1) % 2)


def kernel(x, lut):
    B = x.shape[0] * x.shape[1]
    idx = x.reshape(B // G, G)

    mesh = plsc.VectorSubcoreMesh(
        core_axis_name="c", subcore_axis_name="s",
        num_cores=NC, num_subcores=NS,
    )
    emb = pl.kernel(
        _emb_body,
        out_type=jax.ShapeDtypeStruct((B // G, G, D), jnp.float32),
        mesh=mesh,
        scratch_types=[
            pltpu.VMEM((2, K, G), jnp.int32),
            pltpu.VMEM((2, K, G, D), jnp.float32),
            pltpu.SemaphoreType.DMA,
            pltpu.SemaphoreType.DMA,
            pltpu.SemaphoreType.DMA,
            pltpu.SemaphoreType.DMA,
        ],
        compiler_params=pltpu.CompilerParams(use_tc_tiling_on_sc=False),
    )
    out = emb(idx, lut)
    return out.reshape(x.shape[0], x.shape[1], D)

# --- scband reference (transcript-rebuilt; emitter-appended) ---
"""Pipeline reference for scband-embeddings-3341484556534 (READ-ONLY COPY).

The authoritative reference and input builder live on the scoring server;
editing this copy changes nothing except your own understanding.
"""

import jax, jax.numpy as jnp
import numpy as np
import math

D_MODEL = 64
VOCAB = 1000000

def setup_inputs(seed: int = 0) -> dict:
    key = jax.random.key(seed)
    k1, k2 = jax.random.split(key)
    x = jax.random.randint(k1, (16384, 200), 0, VOCAB, dtype=jnp.int64 if jax.config.jax_enable_x64 else jnp.int32).astype(jnp.int32)
    lut = jax.random.normal(k2, (VOCAB, D_MODEL), dtype=jnp.float32)
    return {"x": x, "lut": lut}

def reference(x, lut):
    # Embeddings.forward: lut(x) * sqrt(d_model)
    emb = jnp.take(lut, x, axis=0)
    return emb * math.sqrt(D_MODEL)

if __name__ == "__main__":
    import jax
    _d = setup_inputs()
    print(jax.jit(kernel)(*tuple(_d.values())))

</pallas_src>

<mosaic_0001>
#map = affine_map<(d0, d1) -> (0, 0)>
#map1 = affine_map<(d0, d1) -> (0, 0, 0)>
module attributes {stable_mosaic.version = 14 : i64} {
  func.func @_emb_body(%arg0: i32, %arg1: i32, %arg2: memref<25600x128xi32, #tpu.memory_space<hbm>>, %arg3: memref<1000000x64xf32, #tpu.memory_space<hbm>>, %arg4: memref<25600x128x64xf32, #tpu.memory_space<hbm>>, %arg5: memref<2x4x128xi32, #tpu.memory_space<vmem>>, %arg6: memref<2x4x128x64xf32, #tpu.memory_space<vmem>>, %arg7: memref<!tpu.dma_semaphore, #tpu.memory_space<semaphore_mem>>, %arg8: memref<!tpu.dma_semaphore, #tpu.memory_space<semaphore_mem>>, %arg9: memref<!tpu.dma_semaphore, #tpu.memory_space<semaphore_mem>>, %arg10: memref<!tpu.dma_semaphore, #tpu.memory_space<semaphore_mem>>) attributes {dimension_semantics = [#tpu.dimension_semantics<core_parallel>, #tpu.dimension_semantics<subcore_parallel>], iteration_bounds = array<i64: 2, 16>, scalar_prefetch = 0 : i64, scratch_operands = 6 : i64, tpu.core_type = #tpu.core_type<sc_vector_subcore>, window_params = [{transform_indices = #map}, {transform_indices = #map}, {transform_indices = #map1}]} {
    %mul3A = arith.constant 2 : i32
    %mul3A_0 = arith.muli %arg1, %mul3A : i32
    %add3A = arith.addi %mul3A_0, %arg0 : i32
    %mul3A_1 = arith.constant 800 : i32
    %mul3A_2 = arith.muli %add3A, %mul3A_1 : i32
    %add3A_3 = arith.constant 0 : i32
    %add3A_4 = arith.addi %mul3A_2, %add3A_3 : i32
    %run_scoped3A = arith.constant 0 : i32
    "tpu.region"() ({
      %run_scoped3A_118 = tpu.sem_alloc : memref<!tpu.dma_semaphore, #tpu.memory_space<semaphore_mem>>
      %dma_start3A_119 = arith.constant 0 : i32
      %dma_start3A_120 = arith.constant 0 : i32
      %dma_start3A_121 = tpu.memref_slice %arg5[%run_scoped3A, %dma_start3A_119, %dma_start3A_120] : memref<2x4x128xi32, #tpu.memory_space<vmem>> -> memref<1x4x128xi32, #tpu.memory_space<vmem>>
      %dma_start3A_122 = tpu.memref_squeeze %dma_start3A_121 : memref<1x4x128xi32, #tpu.memory_space<vmem>> -> memref<4x128xi32, #tpu.memory_space<vmem>>
      %dma_start3A_123 = arith.constant 0 : i32
      %dma_start3A_124 = tpu.memref_slice %arg2[%add3A_4, %dma_start3A_123] : memref<25600x128xi32, #tpu.memory_space<hbm>> -> memref<4x128xi32, #tpu.memory_space<hbm>>
      %dma_start3A_125 = arith.constant 0 : i32
      %dma_start3A_126 = arith.constant 0 : i32
      %dma_start3A_127 = tpu.memref_slice %arg5[%run_scoped3A, %dma_start3A_125, %dma_start3A_126] : memref<2x4x128xi32, #tpu.memory_space<vmem>> -> memref<1x4x128xi32, #tpu.memory_space<vmem>>
      %dma_start3A_128 = tpu.memref_squeeze %dma_start3A_127 : memref<1x4x128xi32, #tpu.memory_space<vmem>> -> memref<4x128xi32, #tpu.memory_space<vmem>>
      %dma_start3A_129 = arith.constant 0 : i32
      %dma_start3A_130 = tpu.memref_slice %arg2[%add3A_4, %dma_start3A_129] : memref<25600x128xi32, #tpu.memory_space<hbm>> -> memref<4x128xi32, #tpu.memory_space<hbm>>
      tpu.enqueue_dma source(%dma_start3A_130 : memref<4x128xi32, #tpu.memory_space<hbm>>) target(%dma_start3A_128 : memref<4x128xi32, #tpu.memory_space<vmem>>) target_semaphore(%run_scoped3A_118 : memref<!tpu.dma_semaphore, #tpu.memory_space<semaphore_mem>>)
      %dma_wait3A_131 = arith.constant 0 : i32
      %dma_wait3A_132 = arith.constant 0 : i32
      %dma_wait3A_133 = tpu.memref_slice %arg5[%run_scoped3A, %dma_wait3A_131, %dma_wait3A_132] : memref<2x4x128xi32, #tpu.memory_space<vmem>> -> memref<1x4x128xi32, #tpu.memory_space<vmem>>
      %dma_wait3A_134 = tpu.memref_squeeze %dma_wait3A_133 : memref<1x4x128xi32, #tpu.memory_space<vmem>> -> memref<4x128xi32, #tpu.memory_space<vmem>>
      %dma_wait3A_135 = arith.constant 0 : i32
      %dma_wait3A_136 = tpu.memref_slice %arg2[%add3A_4, %dma_wait3A_135] : memref<25600x128xi32, #tpu.memory_space<hbm>> -> memref<4x128xi32, #tpu.memory_space<hbm>>
      %dma_wait3A_137 = arith.constant 0 : i32
      %dma_wait3A_138 = arith.constant 0 : i32
      %dma_wait3A_139 = tpu.memref_slice %arg5[%run_scoped3A, %dma_wait3A_137, %dma_wait3A_138] : memref<2x4x128xi32, #tpu.memory_space<vmem>> -> memref<1x4x128xi32, #tpu.memory_space<vmem>>
      %dma_wait3A_140 = tpu.memref_squeeze %dma_wait3A_139 : memref<1x4x128xi32, #tpu.memory_space<vmem>> -> memref<4x128xi32, #tpu.memory_space<vmem>>
      %dma_wait3A_141 = arith.constant 0 : i32
      %dma_wait3A_142 = tpu.memref_slice %arg2[%add3A_4, %dma_wait3A_141] : memref<25600x128xi32, #tpu.memory_space<hbm>> -> memref<4x128xi32, #tpu.memory_space<hbm>>
      tpu.wait_dma2 semaphore(%run_scoped3A_118 : memref<!tpu.dma_semaphore, #tpu.memory_space<semaphore_mem>>) src(%dma_wait3A_142 : memref<4x128xi32, #tpu.memory_space<hbm>>) dst(%dma_wait3A_140 : memref<4x128xi32, #tpu.memory_space<vmem>>)
      tpu.yield
    }) : () -> ()
    %dma_start3A = arith.constant 0 : i32
    %dma_start3A_5 = arith.constant 0 : i32
    %dma_start3A_6 = arith.constant 0 : i32
    %dma_start3A_7 = arith.constant 0 : i32
    %dma_start3A_8 = arith.constant 0 : i32
    %dma_start3A_9 = arith.constant 0 : i32
    %dma_start3A_10 = arith.constant 0 : i32
    %dma_start3A_11 = tpu.memref_slice %arg6[%dma_start3A_6, %dma_start3A_8, %dma_start3A_9, %dma_start3A_10] : memref<2x4x128x64xf32, #tpu.memory_space<vmem>> -> memref<1x4x128x64xf32, #tpu.memory_space<vmem>>
    %dma_start3A_12 = tpu.memref_squeeze %dma_start3A_11 : memref<1x4x128x64xf32, #tpu.memory_space<vmem>> -> memref<4x128x64xf32, #tpu.memory_space<vmem>>
    %dma_start3A_13 = arith.constant 0 : i32
    %dma_start3A_14 = arith.constant 0 : i32
    %dma_start3A_15 = tpu.memref_slice %dma_start3A_12[%dma_start3A_7, %dma_start3A_13, %dma_start3A_14] : memref<4x128x64xf32, #tpu.memory_space<vmem>> -> memref<1x128x64xf32, #tpu.memory_space<vmem>>
    %dma_start3A_16 = tpu.memref_squeeze %dma_start3A_15 : memref<1x128x64xf32, #tpu.memory_space<vmem>> -> memref<128x64xf32, #tpu.memory_space<vmem>>
    %dma_start3A_17 = arith.constant 0 : i32
    %dma_start3A_18 = arith.constant 0 : i32
    %dma_start3A_19 = tpu.memref_slice %arg5[%dma_start3A, %dma_start3A_17, %dma_start3A_18] : memref<2x4x128xi32, #tpu.memory_space<vmem>> -> memref<1x4x128xi32, #tpu.memory_space<vmem>>
    %dma_start3A_20 = tpu.memref_squeeze %dma_start3A_19 : memref<1x4x128xi32, #tpu.memory_space<vmem>> -> memref<4x128xi32, #tpu.memory_space<vmem>>
    %dma_start3A_21 = arith.constant 0 : i32
    %dma_start3A_22 = tpu.memref_slice %dma_start3A_20[%dma_start3A_5, %dma_start3A_21] : memref<4x128xi32, #tpu.memory_space<vmem>> -> memref<1x128xi32, #tpu.memory_space<vmem>>
    %dma_start3A_23 = tpu.memref_squeeze %dma_start3A_22 : memref<1x128xi32, #tpu.memory_space<vmem>> -> memref<128xi32, #tpu.memory_space<vmem>>
    %dma_start3A_24 = arith.constant 0 : i32
    %dma_start3A_25 = arith.constant 0 : i32
    %dma_start3A_26 = tpu.memref_slice %arg3[%dma_start3A_24, %dma_start3A_25] : memref<1000000x64xf32, #tpu.memory_space<hbm>> -> memref<1000000x64xf32, #tpu.memory_space<hbm>>
    tpu.enqueue_indirect_dma source(%dma_start3A_26 : memref<1000000x64xf32, #tpu.memory_space<hbm>>) target(%dma_start3A_16 : memref<128x64xf32, #tpu.memory_space<vmem>>) offsets(%dma_start3A_23 : memref<128xi32, #tpu.memory_space<vmem>>) semaphore(%arg7 : memref<!tpu.dma_semaphore, #tpu.memory_space<semaphore_mem>>)
    %dma_start3A_27 = arith.constant 0 : i32
    %dma_start3A_28 = arith.constant 1 : i32
    %dma_start3A_29 = arith.constant 0 : i32
    %dma_start3A_30 = arith.constant 1 : i32
    %dma_start3A_31 = arith.constant 0 : i32
    %dma_start3A_32 = arith.constant 0 : i32
    %dma_start3A_33 = arith.constant 0 : i32
    %dma_start3A_34 = tpu.memref_slice %arg6[%dma_start3A_29, %dma_start3A_31, %dma_start3A_32, %dma_start3A_33] : memref<2x4x128x64xf32, #tpu.memory_space<vmem>> -> memref<1x4x128x64xf32, #tpu.memory_space<vmem>>
    %dma_start3A_35 = tpu.memref_squeeze %dma_start3A_34 : memref<1x4x128x64xf32, #tpu.memory_space<vmem>> -> memref<4x128x64xf32, #tpu.memory_space<vmem>>
    %dma_start3A_36 = arith.constant 0 : i32
    %dma_start3A_37 = arith.constant 0 : i32
    %dma_start3A_38 = tpu.memref_slice %dma_start3A_35[%dma_start3A_30, %dma_start3A_36, %dma_start3A_37] : memref<4x128x64xf32, #tpu.memory_space<vmem>> -> memref<1x128x64xf32, #tpu.memory_space<vmem>>
    %dma_start3A_39 = tpu.memref_squeeze %dma_start3A_38 : memref<1x128x64xf32, #tpu.memory_space<vmem>> -> memref<128x64xf32, #tpu.memory_space<vmem>>
    %dma_start3A_40 = arith.constant 0 : i32
    %dma_start3A_41 = arith.constant 0 : i32
    %dma_start3A_42 = tpu.memref_slice %arg5[%dma_start3A_27, %dma_start3A_40, %dma_start3A_41] : memref<2x4x128xi32, #tpu.memory_space<vmem>> -> memref<1x4x128xi32, #tpu.memory_space<vmem>>
    %dma_start3A_43 = tpu.memref_squeeze %dma_start3A_42 : memref<1x4x128xi32, #tpu.memory_space<vmem>> -> memref<4x128xi32, #tpu.memory_space<vmem>>
    %dma_start3A_44 = arith.constant 0 : i32
    %dma_start3A_45 = tpu.memref_slice %dma_start3A_43[%dma_start3A_28, %dma_start3A_44] : memref<4x128xi32, #tpu.memory_space<vmem>> -> memref<1x128xi32, #tpu.memory_space<vmem>>
    %dma_start3A_46 = tpu.memref_squeeze %dma_start3A_45 : memref<1x128xi32, #tpu.memory_space<vmem>> -> memref<128xi32, #tpu.memory_space<vmem>>
    %dma_start3A_47 = arith.constant 0 : i32
    %dma_start3A_48 = arith.constant 0 : i32
    %dma_start3A_49 = tpu.memref_slice %arg3[%dma_start3A_47, %dma_start3A_48] : memref<1000000x64xf32, #tpu.memory_space<hbm>> -> memref<1000000x64xf32, #tpu.memory_space<hbm>>
    tpu.enqueue_indirect_dma source(%dma_start3A_49 : memref<1000000x64xf32, #tpu.memory_space<hbm>>) target(%dma_start3A_39 : memref<128x64xf32, #tpu.memory_space<vmem>>) offsets(%dma_start3A_46 : memref<128xi32, #tpu.memory_space<vmem>>) semaphore(%arg7 : memref<!tpu.dma_semaphore, #tpu.memory_space<semaphore_mem>>)
    %dma_start3A_50 = arith.constant 0 : i32
    %dma_start3A_51 = arith.constant 2 : i32
    %dma_start3A_52 = arith.constant 0 : i32
    %dma_start3A_53 = arith.constant 2 : i32
    %dma_start3A_54 = arith.constant 0 : i32
    %dma_start3A_55 = arith.constant 0 : i32
    %dma_start3A_56 = arith.constant 0 : i32
    %dma_start3A_57 = tpu.memref_slice %arg6[%dma_start3A_52, %dma_start3A_54, %dma_start3A_55, %dma_start3A_56] : memref<2x4x128x64xf32, #tpu.memory_space<vmem>> -> memref<1x4x128x64xf32, #tpu.memory_space<vmem>>
    %dma_start3A_58 = tpu.memref_squeeze %dma_start3A_57 : memref<1x4x128x64xf32, #tpu.memory_space<vmem>> -> memref<4x128x64xf32, #tpu.memory_space<vmem>>
    %dma_start3A_59 = arith.constant 0 : i32
    %dma_start3A_60 = arith.constant 0 : i32
    %dma_start3A_61 = tpu.memref_slice %dma_start3A_58[%dma_start3A_53, %dma_start3A_59, %dma_start3A_60] : memref<4x128x64xf32, #tpu.memory_space<vmem>> -> memref<1x128x64xf32, #tpu.memory_space<vmem>>
    %dma_start3A_62 = tpu.memref_squeeze %dma_start3A_61 : memref<1x128x64xf32, #tpu.memory_space<vmem>> -> memref<128x64xf32, #tpu.memory_space<vmem>>
    %dma_start3A_63 = arith.constant 0 : i32
    %dma_start3A_64 = arith.constant 0 : i32
    %dma_start3A_65 = tpu.memref_slice %arg5[%dma_start3A_50, %dma_start3A_63, %dma_start3A_64] : memref<2x4x128xi32, #tpu.memory_space<vmem>> -> memref<1x4x128xi32, #tpu.memory_space<vmem>>
    %dma_start3A_66 = tpu.memref_squeeze %dma_start3A_65 : memref<1x4x128xi32, #tpu.memory_space<vmem>> -> memref<4x128xi32, #tpu.memory_space<vmem>>
    %dma_start3A_67 = arith.constant 0 : i32
    %dma_start3A_68 = tpu.memref_slice %dma_start3A_66[%dma_start3A_51, %dma_start3A_67] : memref<4x128xi32, #tpu.memory_space<vmem>> -> memref<1x128xi32, #tpu.memory_space<vmem>>
    %dma_start3A_69 = tpu.memref_squeeze %dma_start3A_68 : memref<1x128xi32, #tpu.memory_space<vmem>> -> memref<128xi32, #tpu.memory_space<vmem>>
    %dma_start3A_70 = arith.constant 0 : i32
    %dma_start3A_71 = arith.constant 0 : i32
    %dma_start3A_72 = tpu.memref_slice %arg3[%dma_start3A_70, %dma_start3A_71] : memref<1000000x64xf32, #tpu.memory_space<hbm>> -> memref<1000000x64xf32, #tpu.memory_space<hbm>>
    tpu.enqueue_indirect_dma source(%dma_start3A_72 : memref<1000000x64xf32, #tpu.memory_space<hbm>>) target(%dma_start3A_62 : memref<128x64xf32, #tpu.memory_space<vmem>>) offsets(%dma_start3A_69 : memref<128xi32, #tpu.memory_space<vmem>>) semaphore(%arg7 : memref<!tpu.dma_semaphore, #tpu.memory_space<semaphore_mem>>)
    %dma_start3A_73 = arith.constant 0 : i32
    %dma_start3A_74 = arith.constant 3 : i32
    %dma_start3A_75 = arith.constant 0 : i32
    %dma_start3A_76 = arith.constant 3 : i32
    %dma_start3A_77 = arith.constant 0 : i32
    %dma_start3A_78 = arith.constant 0 : i32
    %dma_start3A_79 = arith.constant 0 : i32
    %dma_start3A_80 = tpu.memref_slice %arg6[%dma_start3A_75, %dma_start3A_77, %dma_start3A_78, %dma_start3A_79] : memref<2x4x128x64xf32, #tpu.memory_space<vmem>> -> memref<1x4x128x64xf32, #tpu.memory_space<vmem>>
    %dma_start3A_81 = tpu.memref_squeeze %dma_start3A_80 : memref<1x4x128x64xf32, #tpu.memory_space<vmem>> -> memref<4x128x64xf32, #tpu.memory_space<vmem>>
    %dma_start3A_82 = arith.constant 0 : i32
    %dma_start3A_83 = arith.constant 0 : i32
    %dma_start3A_84 = tpu.memref_slice %dma_start3A_81[%dma_start3A_76, %dma_start3A_82, %dma_start3A_83] : memref<4x128x64xf32, #tpu.memory_space<vmem>> -> memref<1x128x64xf32, #tpu.memory_space<vmem>>
    %dma_start3A_85 = tpu.memref_squeeze %dma_start3A_84 : memref<1x128x64xf32, #tpu.memory_space<vmem>> -> memref<128x64xf32, #tpu.memory_space<vmem>>
    %dma_start3A_86 = arith.constant 0 : i32
    %dma_start3A_87 = arith.constant 0 : i32
    %dma_start3A_88 = tpu.memref_slice %arg5[%dma_start3A_73, %dma_start3A_86, %dma_start3A_87] : memref<2x4x128xi32, #tpu.memory_space<vmem>> -> memref<1x4x128xi32, #tpu.memory_space<vmem>>
    %dma_start3A_89 = tpu.memref_squeeze %dma_start3A_88 : memref<1x4x128xi32, #tpu.memory_space<vmem>> -> memref<4x128xi32, #tpu.memory_space<vmem>>
    %dma_start3A_90 = arith.constant 0 : i32
    %dma_start3A_91 = tpu.memref_slice %dma_start3A_89[%dma_start3A_74, %dma_start3A_90] : memref<4x128xi32, #tpu.memory_space<vmem>> -> memref<1x128xi32, #tpu.memory_space<vmem>>
    %dma_start3A_92 = tpu.memref_squeeze %dma_start3A_91 : memref<1x128xi32, #tpu.memory_space<vmem>> -> memref<128xi32, #tpu.memory_space<vmem>>
    %dma_start3A_93 = arith.constant 0 : i32
    %dma_start3A_94 = arith.constant 0 : i32
    %dma_start3A_95 = tpu.memref_slice %arg3[%dma_start3A_93, %dma_start3A_94] : memref<1000000x64xf32, #tpu.memory_space<hbm>> -> memref<1000000x64xf32, #tpu.memory_space<hbm>>
    tpu.enqueue_indirect_dma source(%dma_start3A_95 : memref<1000000x64xf32, #tpu.memory_space<hbm>>) target(%dma_start3A_85 : memref<128x64xf32, #tpu.memory_space<vmem>>) offsets(%dma_start3A_92 : memref<128xi32, #tpu.memory_space<vmem>>) semaphore(%arg7 : memref<!tpu.dma_semaphore, #tpu.memory_space<semaphore_mem>>)
    %scan3A = arith.constant 0 : i32
    %scan3A_96 = arith.constant 100 : i32
    %scan3A_97 = arith.addi %scan3A, %scan3A_96 : i32
    %scan3A_98 = arith.constant 1 : i32
    scf.for %scan3A_118 = %scan3A to %scan3A_97 step %scan3A_98  : i32 {
      %mul3A_119 = arith.constant 2 : i32
      %mul3A_120 = arith.muli %scan3A_118, %mul3A_119 : i32
      %add3A_121 = arith.constant 0 : i32
      %add3A_122 = arith.addi %mul3A_120, %add3A_121 : i32
      %dma_wait3A_123 = arith.constant 0 : i32
      %dma_wait3A_124 = arith.constant 0 : i32
      %dma_wait3A_125 = arith.constant 0 : i32
      %dma_wait3A_126 = arith.constant 0 : i32
      %dma_wait3A_127 = arith.constant 0 : i32
      %dma_wait3A_128 = arith.constant 0 : i32
      %dma_wait3A_129 = arith.constant 0 : i32
      %dma_wait3A_130 = tpu.memref_slice %arg6[%dma_wait3A_125, %dma_wait3A_127, %dma_wait3A_128, %dma_wait3A_129] : memref<2x4x128x64xf32, #tpu.memory_space<vmem>> -> memref<1x4x128x64xf32, #tpu.memory_space<vmem>>
      %dma_wait3A_131 = tpu.memref_squeeze %dma_wait3A_130 : memref<1x4x128x64xf32, #tpu.memory_space<vmem>> -> memref<4x128x64xf32, #tpu.memory_space<vmem>>
      %dma_wait3A_132 = arith.constant 0 : i32
      %dma_wait3A_133 = arith.constant 0 : i32
      %dma_wait3A_134 = tpu.memref_slice %dma_wait3A_131[%dma_wait3A_126, %dma_wait3A_132, %dma_wait3A_133] : memref<4x128x64xf32, #tpu.memory_space<vmem>> -> memref<1x128x64xf32, #tpu.memory_space<vmem>>
      %dma_wait3A_135 = tpu.memref_squeeze %dma_wait3A_134 : memref<1x128x64xf32, #tpu.memory_space<vmem>> -> memref<128x64xf32, #tpu.memory_space<vmem>>
      %dma_wait3A_136 = arith.constant 0 : i32
      %dma_wait3A_137 = arith.constant 0 : i32
      %dma_wait3A_138 = tpu.memref_slice %arg5[%dma_wait3A_123, %dma_wait3A_136, %dma_wait3A_137] : memref<2x4x128xi32, #tpu.memory_space<vmem>> -> memref<1x4x128xi32, #tpu.memory_space<vmem>>
      %dma_wait3A_139 = tpu.memref_squeeze %dma_wait3A_138 : memref<1x4x128xi32, #tpu.memory_space<vmem>> -> memref<4x128xi32, #tpu.memory_space<vmem>>
      %dma_wait3A_140 = arith.constant 0 : i32
      %dma_wait3A_141 = tpu.memref_slice %dma_wait3A_139[%dma_wait3A_124, %dma_wait3A_140] : memref<4x128xi32, #tpu.memory_space<vmem>> -> memref<1x128xi32, #tpu.memory_space<vmem>>
      %dma_wait3A_142 = tpu.memref_squeeze %dma_wait3A_141 : memref<1x128xi32, #tpu.memory_space<vmem>> -> memref<128xi32, #tpu.memory_space<vmem>>
      %dma_wait3A_143 = arith.constant 0 : i32
      %dma_wait3A_144 = arith.constant 0 : i32
      %dma_wait3A_145 = tpu.memref_slice %arg3[%dma_wait3A_143, %dma_wait3A_144] : memref<1000000x64xf32, #tpu.memory_space<hbm>> -> memref<1000000x64xf32, #tpu.memory_space<hbm>>
      tpu.wait_indirect_dma semaphore(%arg7 : memref<!tpu.dma_semaphore, #tpu.memory_space<semaphore_mem>>) src(%dma_wait3A_145 : memref<1000000x64xf32, #tpu.memory_space<hbm>>) dst(%dma_wait3A_135 : memref<128x64xf32, #tpu.memory_space<vmem>>)
      %dma_wait3A_146 = arith.constant 0 : i32
      %dma_wait3A_147 = arith.constant 1 : i32
      %dma_wait3A_148 = arith.constant 0 : i32
      %dma_wait3A_149 = arith.constant 1 : i32
      %dma_wait3A_150 = arith.constant 0 : i32
      %dma_wait3A_151 = arith.constant 0 : i32
      %dma_wait3A_152 = arith.constant 0 : i32
      %dma_wait3A_153 = tpu.memref_slice %arg6[%dma_wait3A_148, %dma_wait3A_150, %dma_wait3A_151, %dma_wait3A_152] : memref<2x4x128x64xf32, #tpu.memory_space<vmem>> -> memref<1x4x128x64xf32, #tpu.memory_space<vmem>>
      %dma_wait3A_154 = tpu.memref_squeeze %dma_wait3A_153 : memref<1x4x128x64xf32, #tpu.memory_space<vmem>> -> memref<4x128x64xf32, #tpu.memory_space<vmem>>
      %dma_wait3A_155 = arith.constant 0 : i32
      %dma_wait3A_156 = arith.constant 0 : i32
      %dma_wait3A_157 = tpu.memref_slice %dma_wait3A_154[%dma_wait3A_149, %dma_wait3A_155, %dma_wait3A_156] : memref<4x128x64xf32, #tpu.memory_space<vmem>> -> memref<1x128x64xf32, #tpu.memory_space<vmem>>
      %dma_wait3A_158 = tpu.memref_squeeze %dma_wait3A_157 : memref<1x128x64xf32, #tpu.memory_space<vmem>> -> memref<128x64xf32, #tpu.memory_space<vmem>>
      %dma_wait3A_159 = arith.constant 0 : i32
      %dma_wait3A_160 = arith.constant 0 : i32
      %dma_wait3A_161 = tpu.memref_slice %arg5[%dma_wait3A_146, %dma_wait3A_159, %dma_wait3A_160] : memref<2x4x128xi32, #tpu.memory_space<vmem>> -> memref<1x4x128xi32, #tpu.memory_space<vmem>>
      %dma_wait3A_162 = tpu.memref_squeeze %dma_wait3A_161 : memref<1x4x128xi32, #tpu.memory_space<vmem>> -> memref<4x128xi32, #tpu.memory_space<vmem>>
      %dma_wait3A_163 = arith.constant 0 : i32
      %dma_wait3A_164 = tpu.memref_slice %dma_wait3A_162[%dma_wait3A_147, %dma_wait3A_163] : memref<4x128xi32, #tpu.memory_space<vmem>> -> memref<1x128xi32, #tpu.memory_space<vmem>>
      %dma_wait3A_165 = tpu.memref_squeeze %dma_wait3A_164 : memref<1x128xi32, #tpu.memory_space<vmem>> -> memref<128xi32, #tpu.memory_space<vmem>>
      %dma_wait3A_166 = arith.constant 0 : i32
      %dma_wait3A_167 = arith.constant 0 : i32
      %dma_wait3A_168 = tpu.memref_slice %arg3[%dma_wait3A_166, %dma_wait3A_167] : memref<1000000x64xf32, #tpu.memory_space<hbm>> -> memref<1000000x64xf32, #tpu.memory_space<hbm>>
      tpu.wait_indirect_dma semaphore(%arg7 : memref<!tpu.dma_semaphore, #tpu.memory_space<semaphore_mem>>) src(%dma_wait3A_168 : memref<1000000x64xf32, #tpu.memory_space<hbm>>) dst(%dma_wait3A_158 : memref<128x64xf32, #tpu.memory_space<vmem>>)
      %dma_wait3A_169 = arith.constant 0 : i32
      %dma_wait3A_170 = arith.constant 2 : i32
      %dma_wait3A_171 = arith.constant 0 : i32
      %dma_wait3A_172 = arith.constant 2 : i32
      %dma_wait3A_173 = arith.constant 0 : i32
      %dma_wait3A_174 = arith.constant 0 : i32
      %dma_wait3A_175 = arith.constant 0 : i32
      %dma_wait3A_176 = tpu.memref_slice %arg6[%dma_wait3A_171, %dma_wait3A_173, %dma_wait3A_174, %dma_wait3A_175] : memref<2x4x128x64xf32, #tpu.memory_space<vmem>> -> memref<1x4x128x64xf32, #tpu.memory_space<vmem>>
      %dma_wait3A_177 = tpu.memref_squeeze %dma_wait3A_176 : memref<1x4x128x64xf32, #tpu.memory_space<vmem>> -> memref<4x128x64xf32, #tpu.memory_space<vmem>>
      %dma_wait3A_178 = arith.constant 0 : i32
      %dma_wait3A_179 = arith.constant 0 : i32
      %dma_wait3A_180 = tpu.memref_slice %dma_wait3A_177[%dma_wait3A_172, %dma_wait3A_178, %dma_wait3A_179] : memref<4x128x64xf32, #tpu.memory_space<vmem>> -> memref<1x128x64xf32, #tpu.memory_space<vmem>>
      %dma_wait3A_181 = tpu.memref_squeeze %dma_wait3A_180 : memref<1x128x64xf32, #tpu.memory_space<vmem>> -> memref<128x64xf32, #tpu.memory_space<vmem>>
      %dma_wait3A_182 = arith.constant 0 : i32
      %dma_wait3A_183 = arith.constant 0 : i32
      %dma_wait3A_184 = tpu.memref_slice %arg5[%dma_wait3A_169, %dma_wait3A_182, %dma_wait3A_183] : memref<2x4x128xi32, #tpu.memory_space<vmem>> -> memref<1x4x128xi32, #tpu.memory_space<vmem>>
      %dma_wait3A_185 = tpu.memref_squeeze %dma_wait3A_184 : memref<1x4x128xi32, #tpu.memory_space<vmem>> -> memref<4x128xi32, #tpu.memory_space<vmem>>
      %dma_wait3A_186 = arith.constant 0 : i32
      %dma_wait3A_187 = tpu.memref_slice %dma_wait3A_185[%dma_wait3A_170, %dma_wait3A_186] : memref<4x128xi32, #tpu.memory_space<vmem>> -> memref<1x128xi32, #tpu.memory_space<vmem>>
      %dma_wait3A_188 = tpu.memref_squeeze %dma_wait3A_187 : memref<1x128xi32, #tpu.memory_space<vmem>> -> memref<128xi32, #tpu.memory_space<vmem>>
      %dma_wait3A_189 = arith.constant 0 : i32
      %dma_wait3A_190 = arith.constant 0 : i32
      %dma_wait3A_191 = tpu.memref_slice %arg3[%dma_wait3A_189, %dma_wait3A_190] : memref<1000000x64xf32, #tpu.memory_space<hbm>> -> memref<1000000x64xf32, #tpu.memory_space<hbm>>
      tpu.wait_indirect_dma semaphore(%arg7 : memref<!tpu.dma_semaphore, #tpu.memory_space<semaphore_mem>>) src(%dma_wait3A_191 : memref<1000000x64xf32, #tpu.memory_space<hbm>>) dst(%dma_wait3A_181 : memref<128x64xf32, #tpu.memory_space<vmem>>)
      %dma_wait3A_192 = arith.constant 0 : i32
      %dma_wait3A_193 = arith.constant 3 : i32
      %dma_wait3A_194 = arith.constant 0 : i32
      %dma_wait3A_195 = arith.constant 3 : i32
      %dma_wait3A_196 = arith.constant 0 : i32
      %dma_wait3A_197 = arith.constant 0 : i32
      %dma_wait3A_198 = arith.constant 0 : i32
      %dma_wait3A_199 = tpu.memref_slice %arg6[%dma_wait3A_194, %dma_wait3A_196, %dma_wait3A_197, %dma_wait3A_198] : memref<2x4x128x64xf32, #tpu.memory_space<vmem>> -> memref<1x4x128x64xf32, #tpu.memory_space<vmem>>
      %dma_wait3A_200 = tpu.memref_squeeze %dma_wait3A_199 : memref<1x4x128x64xf32, #tpu.memory_space<vmem>> -> memref<4x128x64xf32, #tpu.memory_space<vmem>>
      %dma_wait3A_201 = arith.constant 0 : i32
      %dma_wait3A_202 = arith.constant 0 : i32
      %dma_wait3A_203 = tpu.memref_slice %dma_wait3A_200[%dma_wait3A_195, %dma_wait3A_201, %dma_wait3A_202] : memref<4x128x64xf32, #tpu.memory_space<vmem>> -> memref<1x128x64xf32, #tpu.memory_space<vmem>>
      %dma_wait3A_204 = tpu.memref_squeeze %dma_wait3A_203 : memref<1x128x64xf32, #tpu.memory_space<vmem>> -> memref<128x64xf32, #tpu.memory_space<vmem>>
      %dma_wait3A_205 = arith.constant 0 : i32
      %dma_wait3A_206 = arith.constant 0 : i32
      %dma_wait3A_207 = tpu.memref_slice %arg5[%dma_wait3A_192, %dma_wait3A_205, %dma_wait3A_206] : memref<2x4x128xi32, #tpu.memory_space<vmem>> -> memref<1x4x128xi32, #tpu.memory_space<vmem>>
      %dma_wait3A_208 = tpu.memref_squeeze %dma_wait3A_207 : memref<1x4x128xi32, #tpu.memory_space<vmem>> -> memref<4x128xi32, #tpu.memory_space<vmem>>
      %dma_wait3A_209 = arith.constant 0 : i32
      %dma_wait3A_210 = tpu.memref_slice %dma_wait3A_208[%dma_wait3A_193, %dma_wait3A_209] : memref<4x128xi32, #tpu.memory_space<vmem>> -> memref<1x128xi32, #tpu.memory_space<vmem>>
      %dma_wait3A_211 = tpu.memref_squeeze %dma_wait3A_210 : memref<1x128xi32, #tpu.memory_space<vmem>> -> memref<128xi32, #tpu.memory_space<vmem>>
      %dma_wait3A_212 = arith.constant 0 : i32
      %dma_wait3A_213 = arith.constant 0 : i32
      %dma_wait3A_214 = tpu.memref_slice %arg3[%dma_wait3A_212, %dma_wait3A_213] : memref<1000000x64xf32, #tpu.memory_space<hbm>> -> memref<1000000x64xf32, #tpu.memory_space<hbm>>
      tpu.wait_indirect_dma semaphore(%arg7 : memref<!tpu.dma_semaphore, #tpu.memory_space<semaphore_mem>>) src(%dma_wait3A_214 : memref<1000000x64xf32, #tpu.memory_space<hbm>>) dst(%dma_wait3A_204 : memref<128x64xf32, #tpu.memory_space<vmem>>)
      %add3A_215 = arith.constant 1 : i32
      %add3A_216 = arith.addi %add3A_122, %add3A_215 : i32
      %lt3A = arith.constant 200 : i32
      %lt3A_217 = arith.cmpi slt, %add3A_216, %lt3A : i32
      %convert_element_type3A = arith.extui %lt3A_217 : i1 to i32
      %cond3A = arith.constant 0 : i32
      %cond3A_218 = arith.cmpi ne, %convert_element_type3A, %cond3A : i32
      scf.if %cond3A_218 {
        %add3A_372 = arith.constant 1 : i32
        %add3A_373 = arith.addi %add3A_122, %add3A_372 : i32
        %mul3A_374 = arith.constant 4 : i32
        %mul3A_375 = arith.muli %add3A_373, %mul3A_374 : i32
        %add3A_376 = arith.addi %mul3A_2, %mul3A_375 : i32
        %run_scoped3A_377 = arith.constant 1 : i32
        "tpu.region"() ({
          %run_scoped3A_474 = tpu.sem_alloc : memref<!tpu.dma_semaphore, #tpu.memory_space<semaphore_mem>>
          %dma_start3A_475 = arith.constant 0 : i32
          %dma_start3A_476 = arith.constant 0 : i32
          %dma_start3A_477 = tpu.memref_slice %arg5[%run_scoped3A_377, %dma_start3A_475, %dma_start3A_476] : memref<2x4x128xi32, #tpu.memory_space<vmem>> -> memref<1x4x128xi32, #tpu.memory_space<vmem>>
          %dma_start3A_478 = tpu.memref_squeeze %dma_start3A_477 : memref<1x4x128xi32, #tpu.memory_space<vmem>> -> memref<4x128xi32, #tpu.memory_space<vmem>>
          %dma_start3A_479 = arith.constant 0 : i32
          %dma_start3A_480 = tpu.memref_slice %arg2[%add3A_376, %dma_start3A_479] : memref<25600x128xi32, #tpu.memory_space<hbm>> -> memref<4x128xi32, #tpu.memory_space<hbm>>
          %dma_start3A_481 = arith.constant 0 : i32
          %dma_start3A_482 = arith.constant 0 : i32
          %dma_start3A_483 = tpu.memref_slice %arg5[%run_scoped3A_377, %dma_start3A_481, %dma_start3A_482] : memref<2x4x128xi32, #tpu.memory_space<vmem>> -> memref<1x4x128xi32, #tpu.memory_space<vmem>>
          %dma_start3A_484 = tpu.memref_squeeze %dma_start3A_483 : memref<1x4x128xi32, #tpu.memory_space<vmem>> -> memref<4x128xi32, #tpu.memory_space<vmem>>
          %dma_start3A_485 = arith.constant 0 : i32
          %dma_start3A_486 = tpu.memref_slice %arg2[%add3A_376, %dma_start3A_485] : memref<25600x128xi32, #tpu.memory_space<hbm>> -> memref<4x128xi32, #tpu.memory_space<hbm>>
          tpu.enqueue_dma source(%dma_start3A_486 : memref<4x128xi32, #tpu.memory_space<hbm>>) target(%dma_start3A_484 : memref<4x128xi32, #tpu.memory_space<vmem>>) target_semaphore(%run_scoped3A_474 : memref<!tpu.dma_semaphore, #tpu.memory_space<semaphore_mem>>)
          %dma_wait3A_487 = arith.constant 0 : i32
          %dma_wait3A_488 = arith.constant 0 : i32
          %dma_wait3A_489 = tpu.memref_slice %arg5[%run_scoped3A_377, %dma_wait3A_487, %dma_wait3A_488] : memref<2x4x128xi32, #tpu.memory_space<vmem>> -> memref<1x4x128xi32, #tpu.memory_space<vmem>>
          %dma_wait3A_490 = tpu.memref_squeeze %dma_wait3A_489 : memref<1x4x128xi32, #tpu.memory_space<vmem>> -> memref<4x128xi32, #tpu.memory_space<vmem>>
          %dma_wait3A_491 = arith.constant 0 : i32
          %dma_wait3A_492 = tpu.memref_slice %arg2[%add3A_376, %dma_wait3A_491] : memref<25600x128xi32, #tpu.memory_space<hbm>> -> memref<4x128xi32, #tpu.memory_space<hbm>>
          %dma_wait3A_493 = arith.constant 0 : i32
          %dma_wait3A_494 = arith.constant 0 : i32
          %dma_wait3A_495 = tpu.memref_slice %arg5[%run_scoped3A_377, %dma_wait3A_493, %dma_wait3A_494] : memref<2x4x128xi32, #tpu.memory_space<vmem>> -> memref<1x4x128xi32, #tpu.memory_space<vmem>>
          %dma_wait3A_496 = tpu.memref_squeeze %dma_wait3A_495 : memref<1x4x128xi32, #tpu.memory_space<vmem>> -> memref<4x128xi32, #tpu.memory_space<vmem>>
          %dma_wait3A_497 = arith.constant 0 : i32
          %dma_wait3A_498 = tpu.memref_slice %arg2[%add3A_376, %dma_wait3A_497] : memref<25600x128xi32, #tpu.memory_space<hbm>> -> memref<4x128xi32, #tpu.memory_space<hbm>>
          tpu.wait_dma2 semaphore(%run_scoped3A_474 : memref<!tpu.dma_semaphore, #tpu.memory_space<semaphore_mem>>) src(%dma_wait3A_498 : memref<4x128xi32, #tpu.memory_space<hbm>>) dst(%dma_wait3A_496 : memref<4x128xi32, #tpu.memory_space<vmem>>)
          tpu.yield
        }) : () -> ()
        %ge3A = arith.constant 1 : i32
        %ge3A_378 = arith.cmpi sge, %add3A_122, %ge3A : i32
        %convert_element_type3A_379 = arith.extui %ge3A_378 : i1 to i32
        %cond3A_380 = arith.constant 0 : i32
        %cond3A_381 = arith.cmpi ne, %convert_element_type3A_379, %cond3A_380 : i32
        scf.if %cond3A_381 {
          %dma_wait3A_474 = arith.constant 1 : i32
          %dma_wait3A_475 = arith.constant 0 : i32
          %dma_wait3A_476 = arith.constant 0 : i32
          %dma_wait3A_477 = arith.constant 0 : i32
          %dma_wait3A_478 = tpu.memref_slice %arg6[%dma_wait3A_474, %dma_wait3A_475, %dma_wait3A_476, %dma_wait3A_477] : memref<2x4x128x64xf32, #tpu.memory_space<vmem>> -> memref<1x4x128x64xf32, #tpu.memory_space<vmem>>
          %dma_wait3A_479 = tpu.memref_squeeze %dma_wait3A_478 : memref<1x4x128x64xf32, #tpu.memory_space<vmem>> -> memref<4x128x64xf32, #tpu.memory_space<vmem>>
          %dma_wait3A_480 = arith.constant 0 : i32
          %dma_wait3A_481 = arith.constant 0 : i32
          %dma_wait3A_482 = arith.constant 0 : i32
          %dma_wait3A_483 = tpu.memref_slice %arg4[%dma_wait3A_480, %dma_wait3A_481, %dma_wait3A_482] : memref<25600x128x64xf32, #tpu.memory_space<hbm>> -> memref<4x128x64xf32, #tpu.memory_space<hbm>>
          %dma_wait3A_484 = arith.constant 0 : i32
          %dma_wait3A_485 = arith.constant 0 : i32
          %dma_wait3A_486 = arith.constant 0 : i32
          %dma_wait3A_487 = tpu.memref_slice %arg4[%dma_wait3A_484, %dma_wait3A_485, %dma_wait3A_486] : memref<25600x128x64xf32, #tpu.memory_space<hbm>> -> memref<4x128x64xf32, #tpu.memory_space<hbm>>
          %dma_wait3A_488 = arith.constant 0 : i32
          %dma_wait3A_489 = arith.constant 0 : i32
          %dma_wait3A_490 = arith.constant 0 : i32
          %dma_wait3A_491 = tpu.memref_slice %arg6[%dma_wait3A_474, %dma_wait3A_488, %dma_wait3A_489, %dma_wait3A_490] : memref<2x4x128x64xf32, #tpu.memory_space<vmem>> -> memref<1x4x128x64xf32, #tpu.memory_space<vmem>>
          %dma_wait3A_492 = tpu.memref_squeeze %dma_wait3A_491 : memref<1x4x128x64xf32, #tpu.memory_space<vmem>> -> memref<4x128x64xf32, #tpu.memory_space<vmem>>
          tpu.wait_dma2 semaphore(%arg10 : memref<!tpu.dma_semaphore, #tpu.memory_space<semaphore_mem>>) src(%dma_wait3A_492 : memref<4x128x64xf32, #tpu.memory_space<vmem>>) dst(%dma_wait3A_487 : memref<4x128x64xf32, #tpu.memory_space<hbm>>)
        } else {
        }
        %dma_start3A_382 = arith.constant 1 : i32
        %dma_start3A_383 = arith.constant 0 : i32
        %dma_start3A_384 = arith.constant 1 : i32
        %dma_start3A_385 = arith.constant 0 : i32
        %dma_start3A_386 = arith.constant 0 : i32
        %dma_start3A_387 = arith.constant 0 : i32
        %dma_start3A_388 = arith.constant 0 : i32
        %dma_start3A_389 = tpu.memref_slice %arg6[%dma_start3A_384, %dma_start3A_386, %dma_start3A_387, %dma_start3A_388] : memref<2x4x128x64xf32, #tpu.memory_space<vmem>> -> memref<1x4x128x64xf32, #tpu.memory_space<vmem>>
        %dma_start3A_390 = tpu.memref_squeeze %dma_start3A_389 : memref<1x4x128x64xf32, #tpu.memory_space<vmem>> -> memref<4x128x64xf32, #tpu.memory_space<vmem>>
        %dma_start3A_391 = arith.constant 0 : i32
        %dma_start3A_392 = arith.constant 0 : i32
        %dma_start3A_393 = tpu.memref_slice %dma_start3A_390[%dma_start3A_385, %dma_start3A_391, %dma_start3A_392] : memref<4x128x64xf32, #tpu.memory_space<vmem>> -> memref<1x128x64xf32, #tpu.memory_space<vmem>>
        %dma_start3A_394 = tpu.memref_squeeze %dma_start3A_393 : memref<1x128x64xf32, #tpu.memory_space<vmem>> -> memref<128x64xf32, #tpu.memory_space<vmem>>
        %dma_start3A_395 = arith.constant 0 : i32
        %dma_start3A_396 = arith.constant 0 : i32
        %dma_start3A_397 = tpu.memref_slice %arg5[%dma_start3A_382, %dma_start3A_395, %dma_start3A_396] : memref<2x4x128xi32, #tpu.memory_space<vmem>> -> memref<1x4x128xi32, #tpu.memory_space<vmem>>
        %dma_start3A_398 = tpu.memref_squeeze %dma_start3A_397 : memref<1x4x128xi32, #tpu.memory_space<vmem>> -> memref<4x128xi32, #tpu.memory_space<vmem>>
        %dma_start3A_399 = arith.constant 0 : i32
        %dma_start3A_400 = tpu.memref_slice %dma_start3A_398[%dma_start3A_383, %dma_start3A_399] : memref<4x128xi32, #tpu.memory_space<vmem>> -> memref<1x128xi32, #tpu.memory_space<vmem>>
        %dma_start3A_401 = tpu.memref_squeeze %dma_start3A_400 : memref<1x128xi32, #tpu.memory_space<vmem>> -> memref<128xi32, #tpu.memory_space<vmem>>
        %dma_start3A_402 = arith.constant 0 : i32
        %dma_start3A_403 = arith.constant 0 : i32
        %dma_start3A_404 = tpu.memref_slice %arg3[%dma_start3A_402, %dma_start3A_403] : memref<1000000x64xf32, #tpu.memory_space<hbm>> -> memref<1000000x64xf32, #tpu.memory_space<hbm>>
        tpu.enqueue_indirect_dma source(%dma_start3A_404 : memref<1000000x64xf32, #tpu.memory_space<hbm>>) target(%dma_start3A_394 : memref<128x64xf32, #tpu.memory_space<vmem>>) offsets(%dma_start3A_401 : memref<128xi32, #tpu.memory_space<vmem>>) semaphore(%arg8 : memref<!tpu.dma_semaphore, #tpu.memory_space<semaphore_mem>>)
        %dma_start3A_405 = arith.constant 1 : i32
        %dma_start3A_406 = arith.constant 1 : i32
        %dma_start3A_407 = arith.constant 1 : i32
        %dma_start3A_408 = arith.constant 1 : i32
        %dma_start3A_409 = arith.constant 0 : i32
        %dma_start3A_410 = arith.constant 0 : i32
        %dma_start3A_411 = arith.constant 0 : i32
        %dma_start3A_412 = tpu.memref_slice %arg6[%dma_start3A_407, %dma_start3A_409, %dma_start3A_410, %dma_start3A_411] : memref<2x4x128x64xf32, #tpu.memory_space<vmem>> -> memref<1x4x128x64xf32, #tpu.memory_space<vmem>>
        %dma_start3A_413 = tpu.memref_squeeze %dma_start3A_412 : memref<1x4x128x64xf32, #tpu.memory_space<vmem>> -> memref<4x128x64xf32, #tpu.memory_space<vmem>>
        %dma_start3A_414 = arith.constant 0 : i32
        %dma_start3A_415 = arith.constant 0 : i32
        %dma_start3A_416 = tpu.memref_slice %dma_start3A_413[%dma_start3A_408, %dma_start3A_414, %dma_start3A_415] : memref<4x128x64xf32, #tpu.memory_space<vmem>> -> memref<1x128x64xf32, #tpu.memory_space<vmem>>
        %dma_start3A_417 = tpu.memref_squeeze %dma_start3A_416 : memref<1x128x64xf32, #tpu.memory_space<vmem>> -> memref<128x64xf32, #tpu.memory_space<vmem>>
        %dma_start3A_418 = arith.constant 0 : i32
        %dma_start3A_419 = arith.constant 0 : i32
        %dma_start3A_420 = tpu.memref_slice %arg5[%dma_start3A_405, %dma_start3A_418, %dma_start3A_419] : memref<2x4x128xi32, #tpu.memory_space<vmem>> -> memref<1x4x128xi32, #tpu.memory_space<vmem>>
        %dma_start3A_421 = tpu.memref_squeeze %dma_start3A_420 : memref<1x4x128xi32, #tpu.memory_space<vmem>> -> memref<4x128xi32, #tpu.memory_space<vmem>>
        %dma_start3A_422 = arith.constant 0 : i32
        %dma_start3A_423 = tpu.memref_slice %dma_start3A_421[%dma_start3A_406, %dma_start3A_422] : memref<4x128xi32, #tpu.memory_space<vmem>> -> memref<1x128xi32, #tpu.memory_space<vmem>>
        %dma_start3A_424 = tpu.memref_squeeze %dma_start3A_423 : memref<1x128xi32, #tpu.memory_space<vmem>> -> memref<128xi32, #tpu.memory_space<vmem>>
        %dma_start3A_425 = arith.constant 0 : i32
        %dma_start3A_426 = arith.constant 0 : i32
        %dma_start3A_427 = tpu.memref_slice %arg3[%dma_start3A_425, %dma_start3A_426] : memref<1000000x64xf32, #tpu.memory_space<hbm>> -> memref<1000000x64xf32, #tpu.memory_space<hbm>>
        tpu.enqueue_indirect_dma source(%dma_start3A_427 : memref<1000000x64xf32, #tpu.memory_space<hbm>>) target(%dma_start3A_417 : memref<128x64xf32, #tpu.memory_space<vmem>>) offsets(%dma_start3A_424 : memref<128xi32, #tpu.memory_space<vmem>>) semaphore(%arg8 : memref<!tpu.dma_semaphore, #tpu.memory_space<semaphore_mem>>)
        %dma_start3A_428 = arith.constant 1 : i32
        %dma_start3A_429 = arith.constant 2 : i32
        %dma_start3A_430 = arith.constant 1 : i32
        %dma_start3A_431 = arith.constant 2 : i32
        %dma_start3A_432 = arith.constant 0 : i32
        %dma_start3A_433 = arith.constant 0 : i32
        %dma_start3A_434 = arith.constant 0 : i32
        %dma_start3A_435 = tpu.memref_slice %arg6[%dma_start3A_430, %dma_start3A_432, %dma_start3A_433, %dma_start3A_434] : memref<2x4x128x64xf32, #tpu.memory_space<vmem>> -> memref<1x4x128x64xf32, #tpu.memory_space<vmem>>
        %dma_start3A_436 = tpu.memref_squeeze %dma_start3A_435 : memref<1x4x128x64xf32, #tpu.memory_space<vmem>> -> memref<4x128x64xf32, #tpu.memory_space<vmem>>
        %dma_start3A_437 = arith.constant 0 : i32
        %dma_start3A_438 = arith.constant 0 : i32
        %dma_start3A_439 = tpu.memref_slice %dma_start3A_436[%dma_start3A_431, %dma_start3A_437, %dma_start3A_438] : memref<4x128x64xf32, #tpu.memory_space<vmem>> -> memref<1x128x64xf32, #tpu.memory_space<vmem>>
        %dma_start3A_440 = tpu.memref_squeeze %dma_start3A_439 : memref<1x128x64xf32, #tpu.memory_space<vmem>> -> memref<128x64xf32, #tpu.memory_space<vmem>>
        %dma_start3A_441 = arith.constant 0 : i32
        %dma_start3A_442 = arith.constant 0 : i32
        %dma_start3A_443 = tpu.memref_slice %arg5[%dma_start3A_428, %dma_start3A_441, %dma_start3A_442] : memref<2x4x128xi32, #tpu.memory_space<vmem>> -> memref<1x4x128xi32, #tpu.memory_space<vmem>>
        %dma_start3A_444 = tpu.memref_squeeze %dma_start3A_443 : memref<1x4x128xi32, #tpu.memory_space<vmem>> -> memref<4x128xi32, #tpu.memory_space<vmem>>
        %dma_start3A_445 = arith.constant 0 : i32
        %dma_start3A_446 = tpu.memref_slice %dma_start3A_444[%dma_start3A_429, %dma_start3A_445] : memref<4x128xi32, #tpu.memory_space<vmem>> -> memref<1x128xi32, #tpu.memory_space<vmem>>
        %dma_start3A_447 = tpu.memref_squeeze %dma_start3A_446 : memref<1x128xi32, #tpu.memory_space<vmem>> -> memref<128xi32, #tpu.memory_space<vmem>>
        %dma_start3A_448 = arith.constant 0 : i32
        %dma_start3A_449 = arith.constant 0 : i32
        %dma_start3A_450 = tpu.memref_slice %arg3[%dma_start3A_448, %dma_start3A_449] : memref<1000000x64xf32, #tpu.memory_space<hbm>> -> memref<1000000x64xf32, #tpu.memory_space<hbm>>
        tpu.enqueue_indirect_dma source(%dma_start3A_450 : memref<1000000x64xf32, #tpu.memory_space<hbm>>) target(%dma_start3A_440 : memref<128x64xf32, #tpu.memory_space<vmem>>) offsets(%dma_start3A_447 : memref<128xi32, #tpu.memory_space<vmem>>) semaphore(%arg8 : memref<!tpu.dma_semaphore, #tpu.memory_space<semaphore_mem>>)
        %dma_start3A_451 = arith.constant 1 : i32
        %dma_start3A_452 = arith.constant 3 : i32
        %dma_start3A_453 = arith.constant 1 : i32
        %dma_start3A_454 = arith.constant 3 : i32
        %dma_start3A_455 = arith.constant 0 : i32
        %dma_start3A_456 = arith.constant 0 : i32
        %dma_start3A_457 = arith.constant 0 : i32
        %dma_start3A_458 = tpu.memref_slice %arg6[%dma_start3A_453, %dma_start3A_455, %dma_start3A_456, %dma_start3A_457] : memref<2x4x128x64xf32, #tpu.memory_space<vmem>> -> memref<1x4x128x64xf32, #tpu.memory_space<vmem>>
        %dma_start3A_459 = tpu.memref_squeeze %dma_start3A_458 : memref<1x4x128x64xf32, #tpu.memory_space<vmem>> -> memref<4x128x64xf32, #tpu.memory_space<vmem>>
        %dma_start3A_460 = arith.constant 0 : i32
        %dma_start3A_461 = arith.constant 0 : i32
        %dma_start3A_462 = tpu.memref_slice %dma_start3A_459[%dma_start3A_454, %dma_start3A_460, %dma_start3A_461] : memref<4x128x64xf32, #tpu.memory_space<vmem>> -> memref<1x128x64xf32, #tpu.memory_space<vmem>>
        %dma_start3A_463 = tpu.memref_squeeze %dma_start3A_462 : memref<1x128x64xf32, #tpu.memory_space<vmem>> -> memref<128x64xf32, #tpu.memory_space<vmem>>
        %dma_start3A_464 = arith.constant 0 : i32
        %dma_start3A_465 = arith.constant 0 : i32
        %dma_start3A_466 = tpu.memref_slice %arg5[%dma_start3A_451, %dma_start3A_464, %dma_start3A_465] : memref<2x4x128xi32, #tpu.memory_space<vmem>> -> memref<1x4x128xi32, #tpu.memory_space<vmem>>
        %dma_start3A_467 = tpu.memref_squeeze %dma_start3A_466 : memref<1x4x128xi32, #tpu.memory_space<vmem>> -> memref<4x128xi32, #tpu.memory_space<vmem>>
        %dma_start3A_468 = arith.constant 0 : i32
        %dma_start3A_469 = tpu.memref_slice %dma_start3A_467[%dma_start3A_452, %dma_start3A_468] : memref<4x128xi32, #tpu.memory_space<vmem>> -> memref<1x128xi32, #tpu.memory_space<vmem>>
        %dma_start3A_470 = tpu.memref_squeeze %dma_start3A_469 : memref<1x128xi32, #tpu.memory_space<vmem>> -> memref<128xi32, #tpu.memory_space<vmem>>
        %dma_start3A_471 = arith.constant 0 : i32
        %dma_start3A_472 = arith.constant 0 : i32
        %dma_start3A_473 = tpu.memref_slice %arg3[%dma_start3A_471, %dma_start3A_472] : memref<1000000x64xf32, #tpu.memory_space<hbm>> -> memref<1000000x64xf32, #tpu.memory_space<hbm>>
        tpu.enqueue_indirect_dma source(%dma_start3A_473 : memref<1000000x64xf32, #tpu.memory_space<hbm>>) target(%dma_start3A_463 : memref<128x64xf32, #tpu.memory_space<vmem>>) offsets(%dma_start3A_470 : memref<128xi32, #tpu.memory_space<vmem>>) semaphore(%arg8 : memref<!tpu.dma_semaphore, #tpu.memory_space<semaphore_mem>>)
      } else {
      }
      %scan3A_219 = arith.constant 0 : i32
      %scan3A_220 = arith.constant 128 : i32
      %scan3A_221 = arith.addi %scan3A_219, %scan3A_220 : i32
      %scan3A_222 = arith.constant 1 : i32
      scf.for %scan3A_372 = %scan3A_219 to %scan3A_221 step %scan3A_222  : i32 {
        %get3A = arith.constant 0 : i32
        %get3A_373 = arith.constant 0 : i32
        %get3A_374 = arith.index_cast %get3A : i32 to index
        %get3A_375 = arith.index_cast %get3A_373 : i32 to index
        %get3A_376 = arith.index_cast %scan3A_372 : i32 to index
        %get3A_377 = arith.constant 0 : index
        %get3A_378 = tpu.vector_load %arg6[%get3A_374, %get3A_375, %get3A_376, %get3A_377] {strides = array<i32>} : memref<2x4x128x64xf32, #tpu.memory_space<vmem>>, vector<1x1x1x16xf32>,
        %get3A_379 = vector.shape_cast %get3A_378 : vector<1x1x1x16xf32> to vector<16xf32>
        %mul3A_380 = arith.constant 8.000000e+00 : f32
        %mul3A_381 = vector.broadcast %mul3A_380 : f32 to vector<16xf32>
        %mul3A_382 = arith.mulf %get3A_379, %mul3A_381 : vector<16xf32>
        %swap3A = arith.constant 0 : i32
        %swap3A_383 = arith.constant 0 : i32
        %swap3A_384 = arith.index_cast %swap3A : i32 to index
        %swap3A_385 = arith.index_cast %swap3A_383 : i32 to index
        %swap3A_386 = arith.index_cast %scan3A_372 : i32 to index
        %swap3A_387 = arith.constant 0 : index
        %swap3A_388 = tpu.vector_load %arg6[%swap3A_384, %swap3A_385, %swap3A_386, %swap3A_387] {strides = array<i32>} : memref<2x4x128x64xf32, #tpu.memory_space<vmem>>, vector<1x1x1x16xf32>,
        %swap3A_389 = vector.shape_cast %swap3A_388 : vector<1x1x1x16xf32> to vector<16xf32>
        %swap3A_390 = vector.shape_cast %mul3A_382 : vector<16xf32> to vector<1x1x1x16xf32>
        tpu.vector_store %arg6[%swap3A_384, %swap3A_385, %swap3A_386, %swap3A_387], %swap3A_390 {strides = array<i32>} : memref<2x4x128x64xf32, #tpu.memory_space<vmem>>, vector<1x1x1x16xf32>,
        %get3A_391 = arith.constant 0 : i32
        %get3A_392 = arith.constant 0 : i32
        %get3A_393 = arith.index_cast %get3A_391 : i32 to index
        %get3A_394 = arith.index_cast %get3A_392 : i32 to index
        %get3A_395 = arith.index_cast %scan3A_372 : i32 to index
        %get3A_396 = arith.constant 16 : index
        %get3A_397 = tpu.vector_load %arg6[%get3A_393, %get3A_394, %get3A_395, %get3A_396] {strides = array<i32>} : memref<2x4x128x64xf32, #tpu.memory_space<vmem>>, vector<1x1x1x16xf32>,
        %get3A_398 = vector.shape_cast %get3A_397 : vector<1x1x1x16xf32> to vector<16xf32>
        %mul3A_399 = arith.constant 8.000000e+00 : f32
        %mul3A_400 = vector.broadcast %mul3A_399 : f32 to vector<16xf32>
        %mul3A_401 = arith.mulf %get3A_398, %mul3A_400 : vector<16xf32>
        %swap3A_402 = arith.constant 0 : i32
        %swap3A_403 = arith.constant 0 : i32
        %swap3A_404 = arith.index_cast %swap3A_402 : i32 to index
        %swap3A_405 = arith.index_cast %swap3A_403 : i32 to index
        %swap3A_406 = arith.index_cast %scan3A_372 : i32 to index
        %swap3A_407 = arith.constant 16 : index
        %swap3A_408 = tpu.vector_load %arg6[%swap3A_404, %swap3A_405, %swap3A_406, %swap3A_407] {strides = array<i32>} : memref<2x4x128x64xf32, #tpu.memory_space<vmem>>, vector<1x1x1x16xf32>,
        %swap3A_409 = vector.shape_cast %swap3A_408 : vector<1x1x1x16xf32> to vector<16xf32>
        %swap3A_410 = vector.shape_cast %mul3A_401 : vector<16xf32> to vector<1x1x1x16xf32>
        tpu.vector_store %arg6[%swap3A_404, %swap3A_405, %swap3A_406, %swap3A_407], %swap3A_410 {strides = array<i32>} : memref<2x4x128x64xf32, #tpu.memory_space<vmem>>, vector<1x1x1x16xf32>,
        %get3A_411 = arith.constant 0 : i32
        %get3A_412 = arith.constant 0 : i32
        %get3A_413 = arith.index_cast %get3A_411 : i32 to index
        %get3A_414 = arith.index_cast %get3A_412 : i32 to index
        %get3A_415 = arith.index_cast %scan3A_372 : i32 to index
        %get3A_416 = arith.constant 32 : index
        %get3A_417 = tpu.vector_load %arg6[%get3A_413, %get3A_414, %get3A_415, %get3A_416] {strides = array<i32>} : memref<2x4x128x64xf32, #tpu.memory_space<vmem>>, vector<1x1x1x16xf32>,
        %get3A_418 = vector.shape_cast %get3A_417 : vector<1x1x1x16xf32> to vector<16xf32>
        %mul3A_419 = arith.constant 8.000000e+00 : f32
        %mul3A_420 = vector.broadcast %mul3A_419 : f32 to vector<16xf32>
        %mul3A_421 = arith.mulf %get3A_418, %mul3A_420 : vector<16xf32>
        %swap3A_422 = arith.constant 0 : i32
        %swap3A_423 = arith.constant 0 : i32
        %swap3A_424 = arith.index_cast %swap3A_422 : i32 to index
        %swap3A_425 = arith.index_cast %swap3A_423 : i32 to index
        %swap3A_426 = arith.index_cast %scan3A_372 : i32 to index
        %swap3A_427 = arith.constant 32 : index
        %swap3A_428 = tpu.vector_load %arg6[%swap3A_424, %swap3A_425, %swap3A_426, %swap3A_427] {strides = array<i32>} : memref<2x4x128x64xf32, #tpu.memory_space<vmem>>, vector<1x1x1x16xf32>,
        %swap3A_429 = vector.shape_cast %swap3A_428 : vector<1x1x1x16xf32> to vector<16xf32>
        %swap3A_430 = vector.shape_cast %mul3A_421 : vector<16xf32> to vector<1x1x1x16xf32>
        tpu.vector_store %arg6[%swap3A_424, %swap3A_425, %swap3A_426, %swap3A_427], %swap3A_430 {strides = array<i32>} : memref<2x4x128x64xf32, #tpu.memory_space<vmem>>, vector<1x1x1x16xf32>,
        %get3A_431 = arith.constant 0 : i32
        %get3A_432 = arith.constant 0 : i32
        %get3A_433 = arith.index_cast %get3A_431 : i32 to index
        %get3A_434 = arith.index_cast %get3A_432 : i32 to index
        %get3A_435 = arith.index_cast %scan3A_372 : i32 to index
        %get3A_436 = arith.constant 48 : index
        %get3A_437 = tpu.vector_load %arg6[%get3A_433, %get3A_434, %get3A_435, %get3A_436] {strides = array<i32>} : memref<2x4x128x64xf32, #tpu.memory_space<vmem>>, vector<1x1x1x16xf32>,
        %get3A_438 = vector.shape_cast %get3A_437 : vector<1x1x1x16xf32> to vector<16xf32>
        %mul3A_439 = arith.constant 8.000000e+00 : f32
        %mul3A_440 = vector.broadcast %mul3A_439 : f32 to vector<16xf32>
        %mul3A_441 = arith.mulf %get3A_438, %mul3A_440 : vector<16xf32>
        %swap3A_442 = arith.constant 0 : i32
        %swap3A_443 = arith.constant 0 : i32
        %swap3A_444 = arith.index_cast %swap3A_442 : i32 to index
        %swap3A_445 = arith.index_cast %swap3A_443 : i32 to index
        %swap3A_446 = arith.index_cast %scan3A_372 : i32 to index
        %swap3A_447 = arith.constant 48 : index
        %swap3A_448 = tpu.vector_load %arg6[%swap3A_444, %swap3A_445, %swap3A_446, %swap3A_447] {strides = array<i32>} : memref<2x4x128x64xf32, #tpu.memory_space<vmem>>, vector<1x1x1x16xf32>,
        %swap3A_449 = vector.shape_cast %swap3A_448 : vector<1x1x1x16xf32> to vector<16xf32>
        %swap3A_450 = vector.shape_cast %mul3A_441 : vector<16xf32> to vector<1x1x1x16xf32>
        tpu.vector_store %arg6[%swap3A_444, %swap3A_445, %swap3A_446, %swap3A_447], %swap3A_450 {strides = array<i32>} : memref<2x4x128x64xf32, #tpu.memory_space<vmem>>, vector<1x1x1x16xf32>,
        %get3A_451 = arith.constant 0 : i32
        %get3A_452 = arith.constant 1 : i32
        %get3A_453 = arith.index_cast %get3A_451 : i32 to index
        %get3A_454 = arith.index_cast %get3A_452 : i32 to index
        %get3A_455 = arith.index_cast %scan3A_372 : i32 to index
        %get3A_456 = arith.constant 0 : index
        %get3A_457 = tpu.vector_load %arg6[%get3A_453, %get3A_454, %get3A_455, %get3A_456] {strides = array<i32>} : memref<2x4x128x64xf32, #tpu.memory_space<vmem>>, vector<1x1x1x16xf32>,
        %get3A_458 = vector.shape_cast %get3A_457 : vector<1x1x1x16xf32> to vector<16xf32>
        %mul3A_459 = arith.constant 8.000000e+00 : f32
        %mul3A_460 = vector.broadcast %mul3A_459 : f32 to vector<16xf32>
        %mul3A_461 = arith.mulf %get3A_458, %mul3A_460 : vector<16xf32>
        %swap3A_462 = arith.constant 0 : i32
        %swap3A_463 = arith.constant 1 : i32
        %swap3A_464 = arith.index_cast %swap3A_462 : i32 to index
        %swap3A_465 = arith.index_cast %swap3A_463 : i32 to index
        %swap3A_466 = arith.index_cast %scan3A_372 : i32 to index
        %swap3A_467 = arith.constant 0 : index
        %swap3A_468 = tpu.vector_load %arg6[%swap3A_464, %swap3A_465, %swap3A_466, %swap3A_467] {strides = array<i32>} : memref<2x4x128x64xf32, #tpu.memory_space<vmem>>, vector<1x1x1x16xf32>,
        %swap3A_469 = vector.shape_cast %swap3A_468 : vector<1x1x1x16xf32> to vector<16xf32>
        %swap3A_470 = vector.shape_cast %mul3A_461 : vector<16xf32> to vector<1x1x1x16xf32>
        tpu.vector_store %arg6[%swap3A_464, %swap3A_465, %swap3A_466, %swap3A_467], %swap3A_470 {strides = array<i32>} : memref<2x4x128x64xf32, #tpu.memory_space<vmem>>, vector<1x1x1x16xf32>,
        %get3A_471 = arith.constant 0 : i32
        %get3A_472 = arith.constant 1 : i32
        %get3A_473 = arith.index_cast %get3A_471 : i32 to index
        %get3A_474 = arith.index_cast %get3A_472 : i32 to index
        %get3A_475 = arith.index_cast %scan3A_372 : i32 to index
        %get3A_476 = arith.constant 16 : index
        %get3A_477 = tpu.vector_load %arg6[%get3A_473, %get3A_474, %get3A_475, %get3A_476] {strides = array<i32>} : memref<2x4x128x64xf32, #tpu.memory_space<vmem>>, vector<1x1x1x16xf32>,
        %get3A_478 = vector.shape_cast %get3A_477 : vector<1x1x1x16xf32> to vector<16xf32>
        %mul3A_479 = arith.constant 8.000000e+00 : f32
        %mul3A_480 = vector.broadcast %mul3A_479 : f32 to vector<16xf32>
        %mul3A_481 = arith.mulf %get3A_478, %mul3A_480 : vector<16xf32>
        %swap3A_482 = arith.constant 0 : i32
        %swap3A_483 = arith.constant 1 : i32
        %swap3A_484 = arith.index_cast %swap3A_482 : i32 to index
        %swap3A_485 = arith.index_cast %swap3A_483 : i32 to index
        %swap3A_486 = arith.index_cast %scan3A_372 : i32 to index
        %swap3A_487 = arith.constant 16 : index
        %swap3A_488 = tpu.vector_load %arg6[%swap3A_484, %swap3A_485, %swap3A_486, %swap3A_487] {strides = array<i32>} : memref<2x4x128x64xf32, #tpu.memory_space<vmem>>, vector<1x1x1x16xf32>,
        %swap3A_489 = vector.shape_cast %swap3A_488 : vector<1x1x1x16xf32> to vector<16xf32>
        %swap3A_490 = vector.shape_cast %mul3A_481 : vector<16xf32> to vector<1x1x1x16xf32>
        tpu.vector_store %arg6[%swap3A_484, %swap3A_485, %swap3A_486, %swap3A_487], %swap3A_490 {strides = array<i32>} : memref<2x4x128x64xf32, #tpu.memory_space<vmem>>, vector<1x1x1x16xf32>,
        %get3A_491 = arith.constant 0 : i32
        %get3A_492 = arith.constant 1 : i32
        %get3A_493 = arith.index_cast %get3A_491 : i32 to index
        %get3A_494 = arith.index_cast %get3A_492 : i32 to index
        %get3A_495 = arith.index_cast %scan3A_372 : i32 to index
        %get3A_496 = arith.constant 32 : index
        %get3A_497 = tpu.vector_load %arg6[%get3A_493, %get3A_494, %get3A_495, %get3A_496] {strides = array<i32>} : memref<2x4x128x64xf32, #tpu.memory_space<vmem>>, vector<1x1x1x16xf32>,
        %get3A_498 = vector.shape_cast %get3A_497 : vector<1x1x1x16xf32> to vector<16xf32>
        %mul3A_499 = arith.constant 8.000000e+00 : f32
        %mul3A_500 = vector.broadcast %mul3A_499 : f32 to vector<16xf32>
        %mul3A_501 = arith.mulf %get3A_498, %mul3A_500 : vector<16xf32>
        %swap3A_502 = arith.constant 0 : i32
        %swap3A_503 = arith.constant 1 : i32
        %swap3A_504 = arith.index_cast %swap3A_502 : i32 to index
        %swap3A_505 = arith.index_cast %swap3A_503 : i32 to index
        %swap3A_506 = arith.index_cast %scan3A_372 : i32 to index
        %swap3A_507 = arith.constant 32 : index
        %swap3A_508 = tpu.vector_load %arg6[%swap3A_504, %swap3A_505, %swap3A_506, %swap3A_507] {strides = array<i32>} : memref<2x4x128x64xf32, #tpu.memory_space<vmem>>, vector<1x1x1x16xf32>,
        %swap3A_509 = vector.shape_cast %swap3A_508 : vector<1x1x1x16xf32> to vector<16xf32>
        %swap3A_510 = vector.shape_cast %mul3A_501 : vector<16xf32> to vector<1x1x1x16xf32>
        tpu.vector_store %arg6[%swap3A_504, %swap3A_505, %swap3A_506, %swap3A_507], %swap3A_510 {strides = array<i32>} : memref<2x4x128x64xf32, #tpu.memory_space<vmem>>, vector<1x1x1x16xf32>,
        %get3A_511 = arith.constant 0 : i32
        %get3A_512 = arith.constant 1 : i32
        %get3A_513 = arith.index_cast %get3A_511 : i32 to index
        %get3A_514 = arith.index_cast %get3A_512 : i32 to index
        %get3A_515 = arith.index_cast %scan3A_372 : i32 to index
        %get3A_516 = arith.constant 48 : index
        %get3A_517 = tpu.vector_load %arg6[%get3A_513, %get3A_514, %get3A_515, %get3A_516] {strides = array<i32>} : memref<2x4x128x64xf32, #tpu.memory_space<vmem>>, vector<1x1x1x16xf32>,
        %get3A_518 = vector.shape_cast %get3A_517 : vector<1x1x1x16xf32> to vector<16xf32>
        %mul3A_519 = arith.constant 8.000000e+00 : f32
        %mul3A_520 = vector.broadcast %mul3A_519 : f32 to vector<16xf32>
        %mul3A_521 = arith.mulf %get3A_518, %mul3A_520 : vector<16xf32>
        %swap3A_522 = arith.constant 0 : i32
        %swap3A_523 = arith.constant 1 : i32
        %swap3A_524 = arith.index_cast %swap3A_522 : i32 to index
        %swap3A_525 = arith.index_cast %swap3A_523 : i32 to index
        %swap3A_526 = arith.index_cast %scan3A_372 : i32 to index
        %swap3A_527 = arith.constant 48 : index
        %swap3A_528 = tpu.vector_load %arg6[%swap3A_524, %swap3A_525, %swap3A_526, %swap3A_527] {strides = array<i32>} : memref<2x4x128x64xf32, #tpu.memory_space<vmem>>, vector<1x1x1x16xf32>,
        %swap3A_529 = vector.shape_cast %swap3A_528 : vector<1x1x1x16xf32> to vector<16xf32>
        %swap3A_530 = vector.shape_cast %mul3A_521 : vector<16xf32> to vector<1x1x1x16xf32>
        tpu.vector_store %arg6[%swap3A_524, %swap3A_525, %swap3A_526, %swap3A_527], %swap3A_530 {strides = array<i32>} : memref<2x4x128x64xf32, #tpu.memory_space<vmem>>, vector<1x1x1x16xf32>,
        %get3A_531 = arith.constant 0 : i32
        %get3A_532 = arith.constant 2 : i32
        %get3A_533 = arith.index_cast %get3A_531 : i32 to index
        %get3A_534 = arith.index_cast %get3A_532 : i32 to index
        %get3A_535 = arith.index_cast %scan3A_372 : i32 to index
        %get3A_536 = arith.constant 0 : index
        %get3A_537 = tpu.vector_load %arg6[%get3A_533, %get3A_534, %get3A_535, %get3A_536] {strides = array<i32>} : memref<2x4x128x64xf32, #tpu.memory_space<vmem>>, vector<1x1x1x16xf32>,
        %get3A_538 = vector.shape_cast %get3A_537 : vector<1x1x1x16xf32> to vector<16xf32>
        %mul3A_539 = arith.constant 8.000000e+00 : f32
        %mul3A_540 = vector.broadcast %mul3A_539 : f32 to vector<16xf32>
        %mul3A_541 = arith.mulf %get3A_538, %mul3A_540 : vector<16xf32>
        %swap3A_542 = arith.constant 0 : i32
        %swap3A_543 = arith.constant 2 : i32
        %swap3A_544 = arith.index_cast %swap3A_542 : i32 to index
        %swap3A_545 = arith.index_cast %swap3A_543 : i32 to index
        %swap3A_546 = arith.index_cast %scan3A_372 : i32 to index
        %swap3A_547 = arith.constant 0 : index
        %swap3A_548 = tpu.vector_load %arg6[%swap3A_544, %swap3A_545, %swap3A_546, %swap3A_547] {strides = array<i32>} : memref<2x4x128x64xf32, #tpu.memory_space<vmem>>, vector<1x1x1x16xf32>,
        %swap3A_549 = vector.shape_cast %swap3A_548 : vector<1x1x1x16xf32> to vector<16xf32>
        %swap3A_550 = vector.shape_cast %mul3A_541 : vector<16xf32> to vector<1x1x1x16xf32>
        tpu.vector_store %arg6[%swap3A_544, %swap3A_545, %swap3A_546, %swap3A_547], %swap3A_550 {strides = array<i32>} : memref<2x4x128x64xf32, #tpu.memory_space<vmem>>, vector<1x1x1x16xf32>,
        %get3A_551 = arith.constant 0 : i32
        %get3A_552 = arith.constant 2 : i32
        %get3A_553 = arith.index_cast %get3A_551 : i32 to index
        %get3A_554 = arith.index_cast %get3A_552 : i32 to index
        %get3A_555 = arith.index_cast %scan3A_372 : i32 to index
        %get3A_556 = arith.constant 16 : index
        %get3A_557 = tpu.vector_load %arg6[%get3A_553, %get3A_554, %get3A_555, %get3A_556] {strides = array<i32>} : memref<2x4x128x64xf32, #tpu.memory_space<vmem>>, vector<1x1x1x16xf32>,
        %get3A_558 = vector.shape_cast %get3A_557 : vector<1x1x1x16xf32> to vector<16xf32>
        %mul3A_559 = arith.constant 8.000000e+00 : f32
        %mul3A_560 = vector.broadcast %mul3A_559 : f32 to vector<16xf32>
        %mul3A_561 = arith.mulf %get3A_558, %mul3A_560 : vector<16xf32>
        %swap3A_562 = arith.constant 0 : i32
        %swap3A_563 = arith.constant 2 : i32
        %swap3A_564 = arith.index_cast %swap3A_562 : i32 to index
        %swap3A_565 = arith.index_cast %swap3A_563 : i32 to index
        %swap3A_566 = arith.index_cast %scan3A_372 : i32 to index
        %swap3A_567 = arith.constant 16 : index
        %swap3A_568 = tpu.vector_load %arg6[%swap3A_564, %swap3A_565, %swap3A_566, %swap3A_567] {strides = array<i32>} : memref<2x4x128x64xf32, #tpu.memory_space<vmem>>, vector<1x1x1x16xf32>,
        %swap3A_569 = vector.shape_cast %swap3A_568 : vector<1x1x1x16xf32> to vector<16xf32>
        %swap3A_570 = vector.shape_cast %mul3A_561 : vector<16xf32> to vector<1x1x1x16xf32>
        tpu.vector_store %arg6[%swap3A_564, %swap3A_565, %swap3A_566, %swap3A_567], %swap3A_570 {strides = array<i32>} : memref<2x4x128x64xf32, #tpu.memory_space<vmem>>, vector<1x1x1x16xf32>,
        %get3A_571 = arith.constant 0 : i32
        %get3A_572 = arith.constant 2 : i32
        %get3A_573 = arith.index_cast %get3A_571 : i32 to index
        %get3A_574 = arith.index_cast %get3A_572 : i32 to index
        %get3A_575 = arith.index_cast %scan3A_372 : i32 to index
        %get3A_576 = arith.constant 32 : index
        %get3A_577 = tpu.vector_load %arg6[%get3A_573, %get3A_574, %get3A_575, %get3A_576] {strides = array<i32>} : memref<2x4x128x64xf32, #tpu.memory_space<vmem>>, vector<1x1x1x16xf32>,
        %get3A_578 = vector.shape_cast %get3A_577 : vector<1x1x1x16xf32> to vector<16xf32>
        %mul3A_579 = arith.constant 8.000000e+00 : f32
        %mul3A_580 = vector.broadcast %mul3A_579 : f32 to vector<16xf32>
        %mul3A_581 = arith.mulf %get3A_578, %mul3A_580 : vector<16xf32>
        %swap3A_582 = arith.constant 0 : i32
        %swap3A_583 = arith.constant 2 : i32
        %swap3A_584 = arith.index_cast %swap3A_582 : i32 to index
        %swap3A_585 = arith.index_cast %swap3A_583 : i32 to index
        %swap3A_586 = arith.index_cast %scan3A_372 : i32 to index
        %swap3A_587 = arith.constant 32 : index
        %swap3A_588 = tpu.vector_load %arg6[%swap3A_584, %swap3A_585, %swap3A_586, %swap3A_587] {strides = array<i32>} : memref<2x4x128x64xf32, #tpu.memory_space<vmem>>, vector<1x1x1x16xf32>,
        %swap3A_589 = vector.shape_cast %swap3A_588 : vector<1x1x1x16xf32> to vector<16xf32>
        %swap3A_590 = vector.shape_cast %mul3A_581 : vector<16xf32> to vector<1x1x1x16xf32>
        tpu.vector_store %arg6[%swap3A_584, %swap3A_585, %swap3A_586, %swap3A_587], %swap3A_590 {strides = array<i32>} : memref<2x4x128x64xf32, #tpu.memory_space<vmem>>, vector<1x1x1x16xf32>,
        %get3A_591 = arith.constant 0 : i32
        %get3A_592 = arith.constant 2 : i32
        %get3A_593 = arith.index_cast %get3A_591 : i32 to index
        %get3A_594 = arith.index_cast %get3A_592 : i32 to index
        %get3A_595 = arith.index_cast %scan3A_372 : i32 to index
        %get3A_596 = arith.constant 48 : index
        %get3A_597 = tpu.vector_load %arg6[%get3A_593, %get3A_594, %get3A_595, %get3A_596] {strides = array<i32>} : memref<2x4x128x64xf32, #tpu.memory_space<vmem>>, vector<1x1x1x16xf32>,
        %get3A_598 = vector.shape_cast %get3A_597 : vector<1x1x1x16xf32> to vector<16xf32>
        %mul3A_599 = arith.constant 8.000000e+00 : f32
        %mul3A_600 = vector.broadcast %mul3A_599 : f32 to vector<16xf32>
        %mul3A_601 = arith.mulf %get3A_598, %mul3A_600 : vector<16xf32>
        %swap3A_602 = arith.constant 0 : i32
        %swap3A_603 = arith.constant 2 : i32
        %swap3A_604 = arith.index_cast %swap3A_602 : i32 to index
        %swap3A_605 = arith.index_cast %swap3A_603 : i32 to index
        %swap3A_606 = arith.index_cast %scan3A_372 : i32 to index
        %swap3A_607 = arith.constant 48 : index
        %swap3A_608 = tpu.vector_load %arg6[%swap3A_604, %swap3A_605, %swap3A_606, %swap3A_607] {strides = array<i32>} : memref<2x4x128x64xf32, #tpu.memory_space<vmem>>, vector<1x1x1x16xf32>,
        %swap3A_609 = vector.shape_cast %swap3A_608 : vector<1x1x1x16xf32> to vector<16xf32>
        %swap3A_610 = vector.shape_cast %mul3A_601 : vector<16xf32> to vector<1x1x1x16xf32>
        tpu.vector_store %arg6[%swap3A_604, %swap3A_605, %swap3A_606, %swap3A_607], %swap3A_610 {strides = array<i32>} : memref<2x4x128x64xf32, #tpu.memory_space<vmem>>, vector<1x1x1x16xf32>,
        %get3A_611 = arith.constant 0 : i32
        %get3A_612 = arith.constant 3 : i32
        %get3A_613 = arith.index_cast %get3A_611 : i32 to index
        %get3A_614 = arith.index_cast %get3A_612 : i32 to index
        %get3A_615 = arith.index_cast %scan3A_372 : i32 to index
        %get3A_616 = arith.constant 0 : index
        %get3A_617 = tpu.vector_load %arg6[%get3A_613, %get3A_614, %get3A_615, %get3A_616] {strides = array<i32>} : memref<2x4x128x64xf32, #tpu.memory_space<vmem>>, vector<1x1x1x16xf32>,
        %get3A_618 = vector.shape_cast %get3A_617 : vector<1x1x1x16xf32> to vector<16xf32>
        %mul3A_619 = arith.constant 8.000000e+00 : f32
        %mul3A_620 = vector.broadcast %mul3A_619 : f32 to vector<16xf32>
        %mul3A_621 = arith.mulf %get3A_618, %mul3A_620 : vector<16xf32>
        %swap3A_622 = arith.constant 0 : i32
        %swap3A_623 = arith.constant 3 : i32
        %swap3A_624 = arith.index_cast %swap3A_622 : i32 to index
        %swap3A_625 = arith.index_cast %swap3A_623 : i32 to index
        %swap3A_626 = arith.index_cast %scan3A_372 : i32 to index
        %swap3A_627 = arith.constant 0 : index
        %swap3A_628 = tpu.vector_load %arg6[%swap3A_624, %swap3A_625, %swap3A_626, %swap3A_627] {strides = array<i32>} : memref<2x4x128x64xf32, #tpu.memory_space<vmem>>, vector<1x1x1x16xf32>,
        %swap3A_629 = vector.shape_cast %swap3A_628 : vector<1x1x1x16xf32> to vector<16xf32>
        %swap3A_630 = vector.shape_cast %mul3A_621 : vector<16xf32> to vector<1x1x1x16xf32>
        tpu.vector_store %arg6[%swap3A_624, %swap3A_625, %swap3A_626, %swap3A_627], %swap3A_630 {strides = array<i32>} : memref<2x4x128x64xf32, #tpu.memory_space<vmem>>, vector<1x1x1x16xf32>,
        %get3A_631 = arith.constant 0 : i32
        %get3A_632 = arith.constant 3 : i32
        %get3A_633 = arith.index_cast %get3A_631 : i32 to index
        %get3A_634 = arith.index_cast %get3A_632 : i32 to index
        %get3A_635 = arith.index_cast %scan3A_372 : i32 to index
        %get3A_636 = arith.constant 16 : index
        %get3A_637 = tpu.vector_load %arg6[%get3A_633, %get3A_634, %get3A_635, %get3A_636] {strides = array<i32>} : memref<2x4x128x64xf32, #tpu.memory_space<vmem>>, vector<1x1x1x16xf32>,
        %get3A_638 = vector.shape_cast %get3A_637 : vector<1x1x1x16xf32> to vector<16xf32>
        %mul3A_639 = arith.constant 8.000000e+00 : f32
        %mul3A_640 = vector.broadcast %mul3A_639 : f32 to vector<16xf32>
        %mul3A_641 = arith.mulf %get3A_638, %mul3A_640 : vector<16xf32>
        %swap3A_642 = arith.constant 0 : i32
        %swap3A_643 = arith.constant 3 : i32
        %swap3A_644 = arith.index_cast %swap3A_642 : i32 to index
        %swap3A_645 = arith.index_cast %swap3A_643 : i32 to index
        %swap3A_646 = arith.index_cast %scan3A_372 : i32 to index
        %swap3A_647 = arith.constant 16 : index
        %swap3A_648 = tpu.vector_load %arg6[%swap3A_644, %swap3A_645, %swap3A_646, %swap3A_647] {strides = array<i32>} : memref<2x4x128x64xf32, #tpu.memory_space<vmem>>, vector<1x1x1x16xf32>,
        %swap3A_649 = vector.shape_cast %swap3A_648 : vector<1x1x1x16xf32> to vector<16xf32>
        %swap3A_650 = vector.shape_cast %mul3A_641 : vector<16xf32> to vector<1x1x1x16xf32>
        tpu.vector_store %arg6[%swap3A_644, %swap3A_645, %swap3A_646, %swap3A_647], %swap3A_650 {strides = array<i32>} : memref<2x4x128x64xf32, #tpu.memory_space<vmem>>, vector<1x1x1x16xf32>,
        %get3A_651 = arith.constant 0 : i32
        %get3A_652 = arith.constant 3 : i32
        %get3A_653 = arith.index_cast %get3A_651 : i32 to index
        %get3A_654 = arith.index_cast %get3A_652 : i32 to index
        %get3A_655 = arith.index_cast %scan3A_372 : i32 to index
        %get3A_656 = arith.constant 32 : index
        %get3A_657 = tpu.vector_load %arg6[%get3A_653, %get3A_654, %get3A_655, %get3A_656] {strides = array<i32>} : memref<2x4x128x64xf32, #tpu.memory_space<vmem>>, vector<1x1x1x16xf32>,
        %get3A_658 = vector.shape_cast %get3A_657 : vector<1x1x1x16xf32> to vector<16xf32>
        %mul3A_659 = arith.constant 8.000000e+00 : f32
        %mul3A_660 = vector.broadcast %mul3A_659 : f32 to vector<16xf32>
        %mul3A_661 = arith.mulf %get3A_658, %mul3A_660 : vector<16xf32>
        %swap3A_662 = arith.constant 0 : i32
        %swap3A_663 = arith.constant 3 : i32
        %swap3A_664 = arith.index_cast %swap3A_662 : i32 to index
        %swap3A_665 = arith.index_cast %swap3A_663 : i32 to index
        %swap3A_666 = arith.index_cast %scan3A_372 : i32 to index
        %swap3A_667 = arith.constant 32 : index
        %swap3A_668 = tpu.vector_load %arg6[%swap3A_664, %swap3A_665, %swap3A_666, %swap3A_667] {strides = array<i32>} : memref<2x4x128x64xf32, #tpu.memory_space<vmem>>, vector<1x1x1x16xf32>,
        %swap3A_669 = vector.shape_cast %swap3A_668 : vector<1x1x1x16xf32> to vector<16xf32>
        %swap3A_670 = vector.shape_cast %mul3A_661 : vector<16xf32> to vector<1x1x1x16xf32>
        tpu.vector_store %arg6[%swap3A_664, %swap3A_665, %swap3A_666, %swap3A_667], %swap3A_670 {strides = array<i32>} : memref<2x4x128x64xf32, #tpu.memory_space<vmem>>, vector<1x1x1x16xf32>,
        %get3A_671 = arith.constant 0 : i32
        %get3A_672 = arith.constant 3 : i32
        %get3A_673 = arith.index_cast %get3A_671 : i32 to index
        %get3A_674 = arith.index_cast %get3A_672 : i32 to index
        %get3A_675 = arith.index_cast %scan3A_372 : i32 to index
        %get3A_676 = arith.constant 48 : index
        %get3A_677 = tpu.vector_load %arg6[%get3A_673, %get3A_674, %get3A_675, %get3A_676] {strides = array<i32>} : memref<2x4x128x64xf32, #tpu.memory_space<vmem>>, vector<1x1x1x16xf32>,
        %get3A_678 = vector.shape_cast %get3A_677 : vector<1x1x1x16xf32> to vector<16xf32>
        %mul3A_679 = arith.constant 8.000000e+00 : f32
        %mul3A_680 = vector.broadcast %mul3A_679 : f32 to vector<16xf32>
        %mul3A_681 = arith.mulf %get3A_678, %mul3A_680 : vector<16xf32>
        %swap3A_682 = arith.constant 0 : i32
        %swap3A_683 = arith.constant 3 : i32
        %swap3A_684 = arith.index_cast %swap3A_682 : i32 to index
        %swap3A_685 = arith.index_cast %swap3A_683 : i32 to index
        %swap3A_686 = arith.index_cast %scan3A_372 : i32 to index
        %swap3A_687 = arith.constant 48 : index
        %swap3A_688 = tpu.vector_load %arg6[%swap3A_684, %swap3A_685, %swap3A_686, %swap3A_687] {strides = array<i32>} : memref<2x4x128x64xf32, #tpu.memory_space<vmem>>, vector<1x1x1x16xf32>,
        %swap3A_689 = vector.shape_cast %swap3A_688 : vector<1x1x1x16xf32> to vector<16xf32>
        %swap3A_690 = vector.shape_cast %mul3A_681 : vector<16xf32> to vector<1x1x1x16xf32>
        tpu.vector_store %arg6[%swap3A_684, %swap3A_685, %swap3A_686, %swap3A_687], %swap3A_690 {strides = array<i32>} : memref<2x4x128x64xf32, #tpu.memory_space<vmem>>, vector<1x1x1x16xf32>,
      }
      %scan3A_223 = arith.constant 128 : i32
      %mul3A_224 = arith.constant 4 : i32
      %mul3A_225 = arith.muli %add3A_122, %mul3A_224 : i32
      %add3A_226 = arith.addi %mul3A_2, %mul3A_225 : i32
      %dma_start3A_227 = arith.constant 0 : i32
      %dma_start3A_228 = arith.constant 0 : i32
      %dma_start3A_229 = arith.constant 0 : i32
      %dma_start3A_230 = arith.constant 0 : i32
      %dma_start3A_231 = tpu.memref_slice %arg6[%dma_start3A_227, %dma_start3A_228, %dma_start3A_229, %dma_start3A_230] : memref<2x4x128x64xf32, #tpu.memory_space<vmem>> -> memref<1x4x128x64xf32, #tpu.memory_space<vmem>>
      %dma_start3A_232 = tpu.memref_squeeze %dma_start3A_231 : memref<1x4x128x64xf32, #tpu.memory_space<vmem>> -> memref<4x128x64xf32, #tpu.memory_space<vmem>>
      %dma_start3A_233 = arith.constant 0 : i32
      %dma_start3A_234 = arith.constant 0 : i32
      %dma_start3A_235 = tpu.memref_slice %arg4[%add3A_226, %dma_start3A_233, %dma_start3A_234] : memref<25600x128x64xf32, #tpu.memory_space<hbm>> -> memref<4x128x64xf32, #tpu.memory_space<hbm>>
      %dma_start3A_236 = arith.constant 0 : i32
      %dma_start3A_237 = arith.constant 0 : i32
      %dma_start3A_238 = tpu.memref_slice %arg4[%add3A_226, %dma_start3A_236, %dma_start3A_237] : memref<25600x128x64xf32, #tpu.memory_space<hbm>> -> memref<4x128x64xf32, #tpu.memory_space<hbm>>
      %dma_start3A_239 = arith.constant 0 : i32
      %dma_start3A_240 = arith.constant 0 : i32
      %dma_start3A_241 = arith.constant 0 : i32
      %dma_start3A_242 = tpu.memref_slice %arg6[%dma_start3A_227, %dma_start3A_239, %dma_start3A_240, %dma_start3A_241] : memref<2x4x128x64xf32, #tpu.memory_space<vmem>> -> memref<1x4x128x64xf32, #tpu.memory_space<vmem>>
      %dma_start3A_243 = tpu.memref_squeeze %dma_start3A_242 : memref<1x4x128x64xf32, #tpu.memory_space<vmem>> -> memref<4x128x64xf32, #tpu.memory_space<vmem>>
      tpu.enqueue_dma source(%dma_start3A_243 : memref<4x128x64xf32, #tpu.memory_space<vmem>>) target(%dma_start3A_238 : memref<4x128x64xf32, #tpu.memory_space<hbm>>) target_semaphore(%arg9 : memref<!tpu.dma_semaphore, #tpu.memory_space<semaphore_mem>>)
      %mul3A_244 = arith.constant 2 : i32
      %mul3A_245 = arith.muli %scan3A_118, %mul3A_244 : i32
      %add3A_246 = arith.constant 1 : i32
      %add3A_247 = arith.addi %mul3A_245, %add3A_246 : i32
      %dma_wait3A_248 = arith.constant 1 : i32
      %dma_wait3A_249 = arith.constant 0 : i32
      %dma_wait3A_250 = arith.constant 1 : i32
      %dma_wait3A_251 = arith.constant 0 : i32
      %dma_wait3A_252 = arith.constant 0 : i32
      %dma_wait3A_253 = arith.constant 0 : i32
      %dma_wait3A_254 = arith.constant 0 : i32
      %dma_wait3A_255 = tpu.memref_slice %arg6[%dma_wait3A_250, %dma_wait3A_252, %dma_wait3A_253, %dma_wait3A_254] : memref<2x4x128x64xf32, #tpu.memory_space<vmem>> -> memref<1x4x128x64xf32, #tpu.memory_space<vmem>>
      %dma_wait3A_256 = tpu.memref_squeeze %dma_wait3A_255 : memref<1x4x128x64xf32, #tpu.memory_space<vmem>> -> memref<4x128x64xf32, #tpu.memory_space<vmem>>
      %dma_wait3A_257 = arith.constant 0 : i32
      %dma_wait3A_258 = arith.constant 0 : i32
      %dma_wait3A_259 = tpu.memref_slice %dma_wait3A_256[%dma_wait3A_251, %dma_wait3A_257, %dma_wait3A_258] : memref<4x128x64xf32, #tpu.memory_space<vmem>> -> memref<1x128x64xf32, #tpu.memory_space<vmem>>
      %dma_wait3A_260 = tpu.memref_squeeze %dma_wait3A_259 : memref<1x128x64xf32, #tpu.memory_space<vmem>> -> memref<128x64xf32, #tpu.memory_space<vmem>>
      %dma_wait3A_261 = arith.constant 0 : i32
      %dma_wait3A_262 = arith.constant 0 : i32
      %dma_wait3A_263 = tpu.memref_slice %arg5[%dma_wait3A_248, %dma_wait3A_261, %dma_wait3A_262] : memref<2x4x128xi32, #tpu.memory_space<vmem>> -> memref<1x4x128xi32, #tpu.memory_space<vmem>>
      %dma_wait3A_264 = tpu.memref_squeeze %dma_wait3A_263 : memref<1x4x128xi32, #tpu.memory_space<vmem>> -> memref<4x128xi32, #tpu.memory_space<vmem>>
      %dma_wait3A_265 = arith.constant 0 : i32
      %dma_wait3A_266 = tpu.memref_slice %dma_wait3A_264[%dma_wait3A_249, %dma_wait3A_265] : memref<4x128xi32, #tpu.memory_space<vmem>> -> memref<1x128xi32, #tpu.memory_space<vmem>>
      %dma_wait3A_267 = tpu.memref_squeeze %dma_wait3A_266 : memref<1x128xi32, #tpu.memory_space<vmem>> -> memref<128xi32, #tpu.memory_space<vmem>>
      %dma_wait3A_268 = arith.constant 0 : i32
      %dma_wait3A_269 = arith.constant 0 : i32
      %dma_wait3A_270 = tpu.memref_slice %arg3[%dma_wait3A_268, %dma_wait3A_269] : memref<1000000x64xf32, #tpu.memory_space<hbm>> -> memref<1000000x64xf32, #tpu.memory_space<hbm>>
      tpu.wait_indirect_dma semaphore(%arg8 : memref<!tpu.dma_semaphore, #tpu.memory_space<semaphore_mem>>) src(%dma_wait3A_270 : memref<1000000x64xf32, #tpu.memory_space<hbm>>) dst(%dma_wait3A_260 : memref<128x64xf32, #tpu.memory_space<vmem>>)
      %dma_wait3A_271 = arith.constant 1 : i32
      %dma_wait3A_272 = arith.constant 1 : i32
      %dma_wait3A_273 = arith.constant 1 : i32
      %dma_wait3A_274 = arith.constant 1 : i32
      %dma_wait3A_275 = arith.constant 0 : i32
      %dma_wait3A_276 = arith.constant 0 : i32
      %dma_wait3A_277 = arith.constant 0 : i32
      %dma_wait3A_278 = tpu.memref_slice %arg6[%dma_wait3A_273, %dma_wait3A_275, %dma_wait3A_276, %dma_wait3A_277] : memref<2x4x128x64xf32, #tpu.memory_space<vmem>> -> memref<1x4x128x64xf32, #tpu.memory_space<vmem>>
      %dma_wait3A_279 = tpu.memref_squeeze %dma_wait3A_278 : memref<1x4x128x64xf32, #tpu.memory_space<vmem>> -> memref<4x128x64xf32, #tpu.memory_space<vmem>>
      %dma_wait3A_280 = arith.constant 0 : i32
      %dma_wait3A_281 = arith.constant 0 : i32
      %dma_wait3A_282 = tpu.memref_slice %dma_wait3A_279[%dma_wait3A_274, %dma_wait3A_280, %dma_wait3A_281] : memref<4x128x64xf32, #tpu.memory_space<vmem>> -> memref<1x128x64xf32, #tpu.memory_space<vmem>>
      %dma_wait3A_283 = tpu.memref_squeeze %dma_wait3A_282 : memref<1x128x64xf32, #tpu.memory_space<vmem>> -> memref<128x64xf32, #tpu.memory_space<vmem>>
      %dma_wait3A_284 = arith.constant 0 : i32
      %dma_wait3A_285 = arith.constant 0 : i32
      %dma_wait3A_286 = tpu.memref_slice %arg5[%dma_wait3A_271, %dma_wait3A_284, %dma_wait3A_285] : memref<2x4x128xi32, #tpu.memory_space<vmem>> -> memref<1x4x128xi32, #tpu.memory_space<vmem>>
      %dma_wait3A_287 = tpu.memref_squeeze %dma_wait3A_286 : memref<1x4x128xi32, #tpu.memory_space<vmem>> -> memref<4x128xi32, #tpu.memory_space<vmem>>
      %dma_wait3A_288 = arith.constant 0 : i32
      %dma_wait3A_289 = tpu.memref_slice %dma_wait3A_287[%dma_wait3A_272, %dma_wait3A_288] : memref<4x128xi32, #tpu.memory_space<vmem>> -> memref<1x128xi32, #tpu.memory_space<vmem>>
      %dma_wait3A_290 = tpu.memref_squeeze %dma_wait3A_289 : memref<1x128xi32, #tpu.memory_space<vmem>> -> memref<128xi32, #tpu.memory_space<vmem>>
      %dma_wait3A_291 = arith.constant 0 : i32
      %dma_wait3A_292 = arith.constant 0 : i32
      %dma_wait3A_293 = tpu.memref_slice %arg3[%dma_wait3A_291, %dma_wait3A_292] : memref<1000000x64xf32, #tpu.memory_space<hbm>> -> memref<1000000x64xf32, #tpu.memory_space<hbm>>
      tpu.wait_indirect_dma semaphore(%arg8 : memref<!tpu.dma_semaphore, #tpu.memory_space<semaphore_mem>>) src(%dma_wait3A_293 : memref<1000000x64xf32, #tpu.memory_space<hbm>>) dst(%dma_wait3A_283 : memref<128x64xf32, #tpu.memory_space<vmem>>)
      %dma_wait3A_294 = arith.constant 1 : i32
      %dma_wait3A_295 = arith.constant 2 : i32
      %dma_wait3A_296 = arith.constant 1 : i32
      %dma_wait3A_297 = arith.constant 2 : i32
      %dma_wait3A_298 = arith.constant 0 : i32
      %dma_wait3A_299 = arith.constant 0 : i32
      %dma_wait3A_300 = arith.constant 0 : i32
      %dma_wait3A_301 = tpu.memref_slice %arg6[%dma_wait3A_296, %dma_wait3A_298, %dma_wait3A_299, %dma_wait3A_300] : memref<2x4x128x64xf32, #tpu.memory_space<vmem>> -> memref<1x4x128x64xf32, #tpu.memory_space<vmem>>
      %dma_wait3A_302 = tpu.memref_squeeze %dma_wait3A_301 : memref<1x4x128x64xf32, #tpu.memory_space<vmem>> -> memref<4x128x64xf32, #tpu.memory_space<vmem>>
      %dma_wait3A_303 = arith.constant 0 : i32
      %dma_wait3A_304 = arith.constant 0 : i32
      %dma_wait3A_305 = tpu.memref_slice %dma_wait3A_302[%dma_wait3A_297, %dma_wait3A_303, %dma_wait3A_304] : memref<4x128x64xf32, #tpu.memory_space<vmem>> -> memref<1x128x64xf32, #tpu.memory_space<vmem>>
      %dma_wait3A_306 = tpu.memref_squeeze %dma_wait3A_305 : memref<1x128x64xf32, #tpu.memory_space<vmem>> -> memref<128x64xf32, #tpu.memory_space<vmem>>
      %dma_wait3A_307 = arith.constant 0 : i32
      %dma_wait3A_308 = arith.constant 0 : i32
      %dma_wait3A_309 = tpu.memref_slice %arg5[%dma_wait3A_294, %dma_wait3A_307, %dma_wait3A_308] : memref<2x4x128xi32, #tpu.memory_space<vmem>> -> memref<1x4x128xi32, #tpu.memory_space<vmem>>
      %dma_wait3A_310 = tpu.memref_squeeze %dma_wait3A_309 : memref<1x4x128xi32, #tpu.memory_space<vmem>> -> memref<4x128xi32, #tpu.memory_space<vmem>>
      %dma_wait3A_311 = arith.constant 0 : i32
      %dma_wait3A_312 = tpu.memref_slice %dma_wait3A_310[%dma_wait3A_295, %dma_wait3A_311] : memref<4x128xi32, #tpu.memory_space<vmem>> -> memref<1x128xi32, #tpu.memory_space<vmem>>
      %dma_wait3A_313 = tpu.memref_squeeze %dma_wait3A_312 : memref<1x128xi32, #tpu.memory_space<vmem>> -> memref<128xi32, #tpu.memory_space<vmem>>
      %dma_wait3A_314 = arith.constant 0 : i32
      %dma_wait3A_315 = arith.constant 0 : i32
      %dma_wait3A_316 = tpu.memref_slice %arg3[%dma_wait3A_314, %dma_wait3A_315] : memref<1000000x64xf32, #tpu.memory_space<hbm>> -> memref<1000000x64xf32, #tpu.memory_space<hbm>>
      tpu.wait_indirect_dma semaphore(%arg8 : memref<!tpu.dma_semaphore, #tpu.memory_space<semaphore_mem>>) src(%dma_wait3A_316 : memref<1000000x64xf32, #tpu.memory_space<hbm>>) dst(%dma_wait3A_306 : memref<128x64xf32, #tpu.memory_space<vmem>>)
      %dma_wait3A_317 = arith.constant 1 : i32
      %dma_wait3A_318 = arith.constant 3 : i32
      %dma_wait3A_319 = arith.constant 1 : i32
      %dma_wait3A_320 = arith.constant 3 : i32
      %dma_wait3A_321 = arith.constant 0 : i32
      %dma_wait3A_322 = arith.constant 0 : i32
      %dma_wait3A_323 = arith.constant 0 : i32
      %dma_wait3A_324 = tpu.memref_slice %arg6[%dma_wait3A_319, %dma_wait3A_321, %dma_wait3A_322, %dma_wait3A_323] : memref<2x4x128x64xf32, #tpu.memory_space<vmem>> -> memref<1x4x128x64xf32, #tpu.memory_space<vmem>>
      %dma_wait3A_325 = tpu.memref_squeeze %dma_wait3A_324 : memref<1x4x128x64xf32, #tpu.memory_space<vmem>> -> memref<4x128x64xf32, #tpu.memory_space<vmem>>
      %dma_wait3A_326 = arith.constant 0 : i32
      %dma_wait3A_327 = arith.constant 0 : i32
      %dma_wait3A_328 = tpu.memref_slice %dma_wait3A_325[%dma_wait3A_320, %dma_wait3A_326, %dma_wait3A_327] : memref<4x128x64xf32, #tpu.memory_space<vmem>> -> memref<1x128x64xf32, #tpu.memory_space<vmem>>
      %dma_wait3A_329 = tpu.memref_squeeze %dma_wait3A_328 : memref<1x128x64xf32, #tpu.memory_space<vmem>> -> memref<128x64xf32, #tpu.memory_space<vmem>>
      %dma_wait3A_330 = arith.constant 0 : i32
      %dma_wait3A_331 = arith.constant 0 : i32
      %dma_wait3A_332 = tpu.memref_slice %arg5[%dma_wait3A_317, %dma_wait3A_330, %dma_wait3A_331] : memref<2x4x128xi32, #tpu.memory_space<vmem>> -> memref<1x4x128xi32, #tpu.memory_space<vmem>>
      %dma_wait3A_333 = tpu.memref_squeeze %dma_wait3A_332 : memref<1x4x128xi32, #tpu.memory_space<vmem>> -> memref<4x128xi32, #tpu.memory_space<vmem>>
      %dma_wait3A_334 = arith.constant 0 : i32
      %dma_wait3A_335 = tpu.memref_slice %dma_wait3A_333[%dma_wait3A_318, %dma_wait3A_334] : memref<4x128xi32, #tpu.memory_space<vmem>> -> memref<1x128xi32, #tpu.memory_space<vmem>>
      %dma_wait3A_336 = tpu.memref_squeeze %dma_wait3A_335 : memref<1x128xi32, #tpu.memory_space<vmem>> -> memref<128xi32, #tpu.memory_space<vmem>>
      %dma_wait3A_337 = arith.constant 0 : i32
      %dma_wait3A_338 = arith.constant 0 : i32
      %dma_wait3A_339 = tpu.memref_slice %arg3[%dma_wait3A_337, %dma_wait3A_338] : memref<1000000x64xf32, #tpu.memory_space<hbm>> -> memref<1000000x64xf32, #tpu.memory_space<hbm>>
      tpu.wait_indirect_dma semaphore(%arg8 : memref<!tpu.dma_semaphore, #tpu.memory_space<semaphore_mem>>) src(%dma_wait3A_339 : memref<1000000x64xf32, #tpu.memory_space<hbm>>) dst(%dma_wait3A_329 : memref<128x64xf32, #tpu.memory_space<vmem>>)
      %add3A_340 = arith.constant 1 : i32
      %add3A_341 = arith.addi %add3A_247, %add3A_340 : i32
      %lt3A_342 = arith.constant 200 : i32
      %lt3A_343 = arith.cmpi slt, %add3A_341, %lt3A_342 : i32
      %convert_element_type3A_344 = arith.extui %lt3A_343 : i1 to i32
      %cond3A_345 = arith.constant 0 : i32
      %cond3A_346 = arith.cmpi ne, %convert_element_type3A_344, %cond3A_345 : i32
      scf.if %cond3A_346 {
        %add3A_372 = arith.constant 1 : i32
        %add3A_373 = arith.addi %add3A_247, %add3A_372 : i32
        %mul3A_374 = arith.constant 4 : i32
        %mul3A_375 = arith.muli %add3A_373, %mul3A_374 : i32
        %add3A_376 = arith.addi %mul3A_2, %mul3A_375 : i32
        %run_scoped3A_377 = arith.constant 0 : i32
        "tpu.region"() ({
          %run_scoped3A_474 = tpu.sem_alloc : memref<!tpu.dma_semaphore, #tpu.memory_space<semaphore_mem>>
          %dma_start3A_475 = arith.constant 0 : i32
          %dma_start3A_476 = arith.constant 0 : i32
          %dma_start3A_477 = tpu.memref_slice %arg5[%run_scoped3A_377, %dma_start3A_475, %dma_start3A_476] : memref<2x4x128xi32, #tpu.memory_space<vmem>> -> memref<1x4x128xi32, #tpu.memory_space<vmem>>
          %dma_start3A_478 = tpu.memref_squeeze %dma_start3A_477 : memref<1x4x128xi32, #tpu.memory_space<vmem>> -> memref<4x128xi32, #tpu.memory_space<vmem>>
          %dma_start3A_479 = arith.constant 0 : i32
          %dma_start3A_480 = tpu.memref_slice %arg2[%add3A_376, %dma_start3A_479] : memref<25600x128xi32, #tpu.memory_space<hbm>> -> memref<4x128xi32, #tpu.memory_space<hbm>>
          %dma_start3A_481 = arith.constant 0 : i32
          %dma_start3A_482 = arith.constant 0 : i32
          %dma_start3A_483 = tpu.memref_slice %arg5[%run_scoped3A_377, %dma_start3A_481, %dma_start3A_482] : memref<2x4x128xi32, #tpu.memory_space<vmem>> -> memref<1x4x128xi32, #tpu.memory_space<vmem>>
          %dma_start3A_484 = tpu.memref_squeeze %dma_start3A_483 : memref<1x4x128xi32, #tpu.memory_space<vmem>> -> memref<4x128xi32, #tpu.memory_space<vmem>>
          %dma_start3A_485 = arith.constant 0 : i32
          %dma_start3A_486 = tpu.memref_slice %arg2[%add3A_376, %dma_start3A_485] : memref<25600x128xi32, #tpu.memory_space<hbm>> -> memref<4x128xi32, #tpu.memory_space<hbm>>
          tpu.enqueue_dma source(%dma_start3A_486 : memref<4x128xi32, #tpu.memory_space<hbm>>) target(%dma_start3A_484 : memref<4x128xi32, #tpu.memory_space<vmem>>) target_semaphore(%run_scoped3A_474 : memref<!tpu.dma_semaphore, #tpu.memory_space<semaphore_mem>>)
          %dma_wait3A_487 = arith.constant 0 : i32
          %dma_wait3A_488 = arith.constant 0 : i32
          %dma_wait3A_489 = tpu.memref_slice %arg5[%run_scoped3A_377, %dma_wait3A_487, %dma_wait3A_488] : memref<2x4x128xi32, #tpu.memory_space<vmem>> -> memref<1x4x128xi32, #tpu.memory_space<vmem>>
          %dma_wait3A_490 = tpu.memref_squeeze %dma_wait3A_489 : memref<1x4x128xi32, #tpu.memory_space<vmem>> -> memref<4x128xi32, #tpu.memory_space<vmem>>
          %dma_wait3A_491 = arith.constant 0 : i32
          %dma_wait3A_492 = tpu.memref_slice %arg2[%add3A_376, %dma_wait3A_491] : memref<25600x128xi32, #tpu.memory_space<hbm>> -> memref<4x128xi32, #tpu.memory_space<hbm>>
          %dma_wait3A_493 = arith.constant 0 : i32
          %dma_wait3A_494 = arith.constant 0 : i32
          %dma_wait3A_495 = tpu.memref_slice %arg5[%run_scoped3A_377, %dma_wait3A_493, %dma_wait3A_494] : memref<2x4x128xi32, #tpu.memory_space<vmem>> -> memref<1x4x128xi32, #tpu.memory_space<vmem>>
          %dma_wait3A_496 = tpu.memref_squeeze %dma_wait3A_495 : memref<1x4x128xi32, #tpu.memory_space<vmem>> -> memref<4x128xi32, #tpu.memory_space<vmem>>
          %dma_wait3A_497 = arith.constant 0 : i32
          %dma_wait3A_498 = tpu.memref_slice %arg2[%add3A_376, %dma_wait3A_497] : memref<25600x128xi32, #tpu.memory_space<hbm>> -> memref<4x128xi32, #tpu.memory_space<hbm>>
          tpu.wait_dma2 semaphore(%run_scoped3A_474 : memref<!tpu.dma_semaphore, #tpu.memory_space<semaphore_mem>>) src(%dma_wait3A_498 : memref<4x128xi32, #tpu.memory_space<hbm>>) dst(%dma_wait3A_496 : memref<4x128xi32, #tpu.memory_space<vmem>>)
          tpu.yield
        }) : () -> ()
        %ge3A = arith.constant 1 : i32
        %ge3A_378 = arith.cmpi sge, %add3A_247, %ge3A : i32
        %convert_element_type3A_379 = arith.extui %ge3A_378 : i1 to i32
        %cond3A_380 = arith.constant 0 : i32
        %cond3A_381 = arith.cmpi ne, %convert_element_type3A_379, %cond3A_380 : i32
        scf.if %cond3A_381 {
          %dma_wait3A_474 = arith.constant 0 : i32
          %dma_wait3A_475 = arith.constant 0 : i32
          %dma_wait3A_476 = arith.constant 0 : i32
          %dma_wait3A_477 = arith.constant 0 : i32
          %dma_wait3A_478 = tpu.memref_slice %arg6[%dma_wait3A_474, %dma_wait3A_475, %dma_wait3A_476, %dma_wait3A_477] : memref<2x4x128x64xf32, #tpu.memory_space<vmem>> -> memref<1x4x128x64xf32, #tpu.memory_space<vmem>>
          %dma_wait3A_479 = tpu.memref_squeeze %dma_wait3A_478 : memref<1x4x128x64xf32, #tpu.memory_space<vmem>> -> memref<4x128x64xf32, #tpu.memory_space<vmem>>
          %dma_wait3A_480 = arith.constant 0 : i32
          %dma_wait3A_481 = arith.constant 0 : i32
          %dma_wait3A_482 = arith.constant 0 : i32
          %dma_wait3A_483 = tpu.memref_slice %arg4[%dma_wait3A_480, %dma_wait3A_481, %dma_wait3A_482] : memref<25600x128x64xf32, #tpu.memory_space<hbm>> -> memref<4x128x64xf32, #tpu.memory_space<hbm>>
          %dma_wait3A_484 = arith.constant 0 : i32
          %dma_wait3A_485 = arith.constant 0 : i32
          %dma_wait3A_486 = arith.constant 0 : i32
          %dma_wait3A_487 = tpu.memref_slice %arg4[%dma_wait3A_484, %dma_wait3A_485, %dma_wait3A_486] : memref<25600x128x64xf32, #tpu.memory_space<hbm>> -> memref<4x128x64xf32, #tpu.memory_space<hbm>>
          %dma_wait3A_488 = arith.constant 0 : i32
          %dma_wait3A_489 = arith.constant 0 : i32
          %dma_wait3A_490 = arith.constant 0 : i32
          %dma_wait3A_491 = tpu.memref_slice %arg6[%dma_wait3A_474, %dma_wait3A_488, %dma_wait3A_489, %dma_wait3A_490] : memref<2x4x128x64xf32, #tpu.memory_space<vmem>> -> memref<1x4x128x64xf32, #tpu.memory_space<vmem>>
          %dma_wait3A_492 = tpu.memref_squeeze %dma_wait3A_491 : memref<1x4x128x64xf32, #tpu.memory_space<vmem>> -> memref<4x128x64xf32, #tpu.memory_space<vmem>>
          tpu.wait_dma2 semaphore(%arg9 : memref<!tpu.dma_semaphore, #tpu.memory_space<semaphore_mem>>) src(%dma_wait3A_492 : memref<4x128x64xf32, #tpu.memory_space<vmem>>) dst(%dma_wait3A_487 : memref<4x128x64xf32, #tpu.memory_space<hbm>>)
        } else {
        }
        %dma_start3A_382 = arith.constant 0 : i32
        %dma_start3A_383 = arith.constant 0 : i32
        %dma_start3A_384 = arith.constant 0 : i32
        %dma_start3A_385 = arith.constant 0 : i32
        %dma_start3A_386 = arith.constant 0 : i32
        %dma_start3A_387 = arith.constant 0 : i32
        %dma_start3A_388 = arith.constant 0 : i32
        %dma_start3A_389 = tpu.memref_slice %arg6[%dma_start3A_384, %dma_start3A_386, %dma_start3A_387, %dma_start3A_388] : memref<2x4x128x64xf32, #tpu.memory_space<vmem>> -> memref<1x4x128x64xf32, #tpu.memory_space<vmem>>
        %dma_start3A_390 = tpu.memref_squeeze %dma_start3A_389 : memref<1x4x128x64xf32, #tpu.memory_space<vmem>> -> memref<4x128x64xf32, #tpu.memory_space<vmem>>
        %dma_start3A_391 = arith.constant 0 : i32
        %dma_start3A_392 = arith.constant 0 : i32
        %dma_start3A_393 = tpu.memref_slice %dma_start3A_390[%dma_start3A_385, %dma_start3A_391, %dma_start3A_392] : memref<4x128x64xf32, #tpu.memory_space<vmem>> -> memref<1x128x64xf32, #tpu.memory_space<vmem>>
        %dma_start3A_394 = tpu.memref_squeeze %dma_start3A_393 : memref<1x128x64xf32, #tpu.memory_space<vmem>> -> memref<128x64xf32, #tpu.memory_space<vmem>>
        %dma_start3A_395 = arith.constant 0 : i32
        %dma_start3A_396 = arith.constant 0 : i32
        %dma_start3A_397 = tpu.memref_slice %arg5[%dma_start3A_382, %dma_start3A_395, %dma_start3A_396] : memref<2x4x128xi32, #tpu.memory_space<vmem>> -> memref<1x4x128xi32, #tpu.memory_space<vmem>>
        %dma_start3A_398 = tpu.memref_squeeze %dma_start3A_397 : memref<1x4x128xi32, #tpu.memory_space<vmem>> -> memref<4x128xi32, #tpu.memory_space<vmem>>
        %dma_start3A_399 = arith.constant 0 : i32
        %dma_start3A_400 = tpu.memref_slice %dma_start3A_398[%dma_start3A_383, %dma_start3A_399] : memref<4x128xi32, #tpu.memory_space<vmem>> -> memref<1x128xi32, #tpu.memory_space<vmem>>
        %dma_start3A_401 = tpu.memref_squeeze %dma_start3A_400 : memref<1x128xi32, #tpu.memory_space<vmem>> -> memref<128xi32, #tpu.memory_space<vmem>>
        %dma_start3A_402 = arith.constant 0 : i32
        %dma_start3A_403 = arith.constant 0 : i32
        %dma_start3A_404 = tpu.memref_slice %arg3[%dma_start3A_402, %dma_start3A_403] : memref<1000000x64xf32, #tpu.memory_space<hbm>> -> memref<1000000x64xf32, #tpu.memory_space<hbm>>
        tpu.enqueue_indirect_dma source(%dma_start3A_404 : memref<1000000x64xf32, #tpu.memory_space<hbm>>) target(%dma_start3A_394 : memref<128x64xf32, #tpu.memory_space<vmem>>) offsets(%dma_start3A_401 : memref<128xi32, #tpu.memory_space<vmem>>) semaphore(%arg7 : memref<!tpu.dma_semaphore, #tpu.memory_space<semaphore_mem>>)
        %dma_start3A_405 = arith.constant 0 : i32
        %dma_start3A_406 = arith.constant 1 : i32
        %dma_start3A_407 = arith.constant 0 : i32
        %dma_start3A_408 = arith.constant 1 : i32
        %dma_start3A_409 = arith.constant 0 : i32
        %dma_start3A_410 = arith.constant 0 : i32
        %dma_start3A_411 = arith.constant 0 : i32
        %dma_start3A_412 = tpu.memref_slice %arg6[%dma_start3A_407, %dma_start3A_409, %dma_start3A_410, %dma_start3A_411] : memref<2x4x128x64xf32, #tpu.memory_space<vmem>> -> memref<1x4x128x64xf32, #tpu.memory_space<vmem>>
        %dma_start3A_413 = tpu.memref_squeeze %dma_start3A_412 : memref<1x4x128x64xf32, #tpu.memory_space<vmem>> -> memref<4x128x64xf32, #tpu.memory_space<vmem>>
        %dma_start3A_414 = arith.constant 0 : i32
        %dma_start3A_415 = arith.constant 0 : i32
        %dma_start3A_416 = tpu.memref_slice %dma_start3A_413[%dma_start3A_408, %dma_start3A_414, %dma_start3A_415] : memref<4x128x64xf32, #tpu.memory_space<vmem>> -> memref<1x128x64xf32, #tpu.memory_space<vmem>>
        %dma_start3A_417 = tpu.memref_squeeze %dma_start3A_416 : memref<1x128x64xf32, #tpu.memory_space<vmem>> -> memref<128x64xf32, #tpu.memory_space<vmem>>
        %dma_start3A_418 = arith.constant 0 : i32
        %dma_start3A_419 = arith.constant 0 : i32
        %dma_start3A_420 = tpu.memref_slice %arg5[%dma_start3A_405, %dma_start3A_418, %dma_start3A_419] : memref<2x4x128xi32, #tpu.memory_space<vmem>> -> memref<1x4x128xi32, #tpu.memory_space<vmem>>
        %dma_start3A_421 = tpu.memref_squeeze %dma_start3A_420 : memref<1x4x128xi32, #tpu.memory_space<vmem>> -> memref<4x128xi32, #tpu.memory_space<vmem>>
        %dma_start3A_422 = arith.constant 0 : i32
        %dma_start3A_423 = tpu.memref_slice %dma_start3A_421[%dma_start3A_406, %dma_start3A_422] : memref<4x128xi32, #tpu.memory_space<vmem>> -> memref<1x128xi32, #tpu.memory_space<vmem>>
        %dma_start3A_424 = tpu.memref_squeeze %dma_start3A_423 : memref<1x128xi32, #tpu.memory_space<vmem>> -> memref<128xi32, #tpu.memory_space<vmem>>
        %dma_start3A_425 = arith.constant 0 : i32
        %dma_start3A_426 = arith.constant 0 : i32
        %dma_start3A_427 = tpu.memref_slice %arg3[%dma_start3A_425, %dma_start3A_426] : memref<1000000x64xf32, #tpu.memory_space<hbm>> -> memref<1000000x64xf32, #tpu.memory_space<hbm>>
        tpu.enqueue_indirect_dma source(%dma_start3A_427 : memref<1000000x64xf32, #tpu.memory_space<hbm>>) target(%dma_start3A_417 : memref<128x64xf32, #tpu.memory_space<vmem>>) offsets(%dma_start3A_424 : memref<128xi32, #tpu.memory_space<vmem>>) semaphore(%arg7 : memref<!tpu.dma_semaphore, #tpu.memory_space<semaphore_mem>>)
        %dma_start3A_428 = arith.constant 0 : i32
        %dma_start3A_429 = arith.constant 2 : i32
        %dma_start3A_430 = arith.constant 0 : i32
        %dma_start3A_431 = arith.constant 2 : i32
        %dma_start3A_432 = arith.constant 0 : i32
        %dma_start3A_433 = arith.constant 0 : i32
        %dma_start3A_434 = arith.constant 0 : i32
        %dma_start3A_435 = tpu.memref_slice %arg6[%dma_start3A_430, %dma_start3A_432, %dma_start3A_433, %dma_start3A_434] : memref<2x4x128x64xf32, #tpu.memory_space<vmem>> -> memref<1x4x128x64xf32, #tpu.memory_space<vmem>>
        %dma_start3A_436 = tpu.memref_squeeze %dma_start3A_435 : memref<1x4x128x64xf32, #tpu.memory_space<vmem>> -> memref<4x128x64xf32, #tpu.memory_space<vmem>>
        %dma_start3A_437 = arith.constant 0 : i32
        %dma_start3A_438 = arith.constant 0 : i32
        %dma_start3A_439 = tpu.memref_slice %dma_start3A_436[%dma_start3A_431, %dma_start3A_437, %dma_start3A_438] : memref<4x128x64xf32, #tpu.memory_space<vmem>> -> memref<1x128x64xf32, #tpu.memory_space<vmem>>
        %dma_start3A_440 = tpu.memref_squeeze %dma_start3A_439 : memref<1x128x64xf32, #tpu.memory_space<vmem>> -> memref<128x64xf32, #tpu.memory_space<vmem>>
        %dma_start3A_441 = arith.constant 0 : i32
        %dma_start3A_442 = arith.constant 0 : i32
        %dma_start3A_443 = tpu.memref_slice %arg5[%dma_start3A_428, %dma_start3A_441, %dma_start3A_442] : memref<2x4x128xi32, #tpu.memory_space<vmem>> -> memref<1x4x128xi32, #tpu.memory_space<vmem>>
        %dma_start3A_444 = tpu.memref_squeeze %dma_start3A_443 : memref<1x4x128xi32, #tpu.memory_space<vmem>> -> memref<4x128xi32, #tpu.memory_space<vmem>>
        %dma_start3A_445 = arith.constant 0 : i32
        %dma_start3A_446 = tpu.memref_slice %dma_start3A_444[%dma_start3A_429, %dma_start3A_445] : memref<4x128xi32, #tpu.memory_space<vmem>> -> memref<1x128xi32, #tpu.memory_space<vmem>>
        %dma_start3A_447 = tpu.memref_squeeze %dma_start3A_446 : memref<1x128xi32, #tpu.memory_space<vmem>> -> memref<128xi32, #tpu.memory_space<vmem>>
        %dma_start3A_448 = arith.constant 0 : i32
        %dma_start3A_449 = arith.constant 0 : i32
        %dma_start3A_450 = tpu.memref_slice %arg3[%dma_start3A_448, %dma_start3A_449] : memref<1000000x64xf32, #tpu.memory_space<hbm>> -> memref<1000000x64xf32, #tpu.memory_space<hbm>>
        tpu.enqueue_indirect_dma source(%dma_start3A_450 : memref<1000000x64xf32, #tpu.memory_space<hbm>>) target(%dma_start3A_440 : memref<128x64xf32, #tpu.memory_space<vmem>>) offsets(%dma_start3A_447 : memref<128xi32, #tpu.memory_space<vmem>>) semaphore(%arg7 : memref<!tpu.dma_semaphore, #tpu.memory_space<semaphore_mem>>)
        %dma_start3A_451 = arith.constant 0 : i32
        %dma_start3A_452 = arith.constant 3 : i32
        %dma_start3A_453 = arith.constant 0 : i32
        %dma_start3A_454 = arith.constant 3 : i32
        %dma_start3A_455 = arith.constant 0 : i32
        %dma_start3A_456 = arith.constant 0 : i32
        %dma_start3A_457 = arith.constant 0 : i32
        %dma_start3A_458 = tpu.memref_slice %arg6[%dma_start3A_453, %dma_start3A_455, %dma_start3A_456, %dma_start3A_457] : memref<2x4x128x64xf32, #tpu.memory_space<vmem>> -> memref<1x4x128x64xf32, #tpu.memory_space<vmem>>
        %dma_start3A_459 = tpu.memref_squeeze %dma_start3A_458 : memref<1x4x128x64xf32, #tpu.memory_space<vmem>> -> memref<4x128x64xf32, #tpu.memory_space<vmem>>
        %dma_start3A_460 = arith.constant 0 : i32
        %dma_start3A_461 = arith.constant 0 : i32
        %dma_start3A_462 = tpu.memref_slice %dma_start3A_459[%dma_start3A_454, %dma_start3A_460, %dma_start3A_461] : memref<4x128x64xf32, #tpu.memory_space<vmem>> -> memref<1x128x64xf32, #tpu.memory_space<vmem>>
        %dma_start3A_463 = tpu.memref_squeeze %dma_start3A_462 : memref<1x128x64xf32, #tpu.memory_space<vmem>> -> memref<128x64xf32, #tpu.memory_space<vmem>>
        %dma_start3A_464 = arith.constant 0 : i32
        %dma_start3A_465 = arith.constant 0 : i32
        %dma_start3A_466 = tpu.memref_slice %arg5[%dma_start3A_451, %dma_start3A_464, %dma_start3A_465] : memref<2x4x128xi32, #tpu.memory_space<vmem>> -> memref<1x4x128xi32, #tpu.memory_space<vmem>>
        %dma_start3A_467 = tpu.memref_squeeze %dma_start3A_466 : memref<1x4x128xi32, #tpu.memory_space<vmem>> -> memref<4x128xi32, #tpu.memory_space<vmem>>
        %dma_start3A_468 = arith.constant 0 : i32
        %dma_start3A_469 = tpu.memref_slice %dma_start3A_467[%dma_start3A_452, %dma_start3A_468] : memref<4x128xi32, #tpu.memory_space<vmem>> -> memref<1x128xi32, #tpu.memory_space<vmem>>
        %dma_start3A_470 = tpu.memref_squeeze %dma_start3A_469 : memref<1x128xi32, #tpu.memory_space<vmem>> -> memref<128xi32, #tpu.memory_space<vmem>>
        %dma_start3A_471 = arith.constant 0 : i32
        %dma_start3A_472 = arith.constant 0 : i32
        %dma_start3A_473 = tpu.memref_slice %arg3[%dma_start3A_471, %dma_start3A_472] : memref<1000000x64xf32, #tpu.memory_space<hbm>> -> memref<1000000x64xf32, #tpu.memory_space<hbm>>
        tpu.enqueue_indirect_dma source(%dma_start3A_473 : memref<1000000x64xf32, #tpu.memory_space<hbm>>) target(%dma_start3A_463 : memref<128x64xf32, #tpu.memory_space<vmem>>) offsets(%dma_start3A_470 : memref<128xi32, #tpu.memory_space<vmem>>) semaphore(%arg7 : memref<!tpu.dma_semaphore, #tpu.memory_space<semaphore_mem>>)
      } else {
      }
      %scan3A_347 = arith.constant 0 : i32
      %scan3A_348 = arith.constant 128 : i32
      %scan3A_349 = arith.addi %scan3A_347, %scan3A_348 : i32
      %scan3A_350 = arith.constant 1 : i32
      scf.for %scan3A_372 = %scan3A_347 to %scan3A_349 step %scan3A_350  : i32 {
        %get3A = arith.constant 1 : i32
        %get3A_373 = arith.constant 0 : i32
        %get3A_374 = arith.index_cast %get3A : i32 to index
        %get3A_375 = arith.index_cast %get3A_373 : i32 to index
        %get3A_376 = arith.index_cast %scan3A_372 : i32 to index
        %get3A_377 = arith.constant 0 : index
        %get3A_378 = tpu.vector_load %arg6[%get3A_374, %get3A_375, %get3A_376, %get3A_377] {strides = array<i32>} : memref<2x4x128x64xf32, #tpu.memory_space<vmem>>, vector<1x1x1x16xf32>,
        %get3A_379 = vector.shape_cast %get3A_378 : vector<1x1x1x16xf32> to vector<16xf32>
        %mul3A_380 = arith.constant 8.000000e+00 : f32
        %mul3A_381 = vector.broadcast %mul3A_380 : f32 to vector<16xf32>
        %mul3A_382 = arith.mulf %get3A_379, %mul3A_381 : vector<16xf32>
        %swap3A = arith.constant 1 : i32
        %swap3A_383 = arith.constant 0 : i32
        %swap3A_384 = arith.index_cast %swap3A : i32 to index
        %swap3A_385 = arith.index_cast %swap3A_383 : i32 to index
        %swap3A_386 = arith.index_cast %scan3A_372 : i32 to index
        %swap3A_387 = arith.constant 0 : index
        %swap3A_388 = tpu.vector_load %arg6[%swap3A_384, %swap3A_385, %swap3A_386, %swap3A_387] {strides = array<i32>} : memref<2x4x128x64xf32, #tpu.memory_space<vmem>>, vector<1x1x1x16xf32>,
        %swap3A_389 = vector.shape_cast %swap3A_388 : vector<1x1x1x16xf32> to vector<16xf32>
        %swap3A_390 = vector.shape_cast %mul3A_382 : vector<16xf32> to vector<1x1x1x16xf32>
        tpu.vector_store %arg6[%swap3A_384, %swap3A_385, %swap3A_386, %swap3A_387], %swap3A_390 {strides = array<i32>} : memref<2x4x128x64xf32, #tpu.memory_space<vmem>>, vector<1x1x1x16xf32>,
        %get3A_391 = arith.constant 1 : i32
        %get3A_392 = arith.constant 0 : i32
        %get3A_393 = arith.index_cast %get3A_391 : i32 to index
        %get3A_394 = arith.index_cast %get3A_392 : i32 to index
        %get3A_395 = arith.index_cast %scan3A_372 : i32 to index
        %get3A_396 = arith.constant 16 : index
        %get3A_397 = tpu.vector_load %arg6[%get3A_393, %get3A_394, %get3A_395, %get3A_396] {strides = array<i32>} : memref<2x4x128x64xf32, #tpu.memory_space<vmem>>, vector<1x1x1x16xf32>,
        %get3A_398 = vector.shape_cast %get3A_397 : vector<1x1x1x16xf32> to vector<16xf32>
        %mul3A_399 = arith.constant 8.000000e+00 : f32
        %mul3A_400 = vector.broadcast %mul3A_399 : f32 to vector<16xf32>
        %mul3A_401 = arith.mulf %get3A_398, %mul3A_400 : vector<16xf32>
        %swap3A_402 = arith.constant 1 : i32
        %swap3A_403 = arith.constant 0 : i32
        %swap3A_404 = arith.index_cast %swap3A_402 : i32 to index
        %swap3A_405 = arith.index_cast %swap3A_403 : i32 to index
        %swap3A_406 = arith.index_cast %scan3A_372 : i32 to index
        %swap3A_407 = arith.constant 16 : index
        %swap3A_408 = tpu.vector_load %arg6[%swap3A_404, %swap3A_405, %swap3A_406, %swap3A_407] {strides = array<i32>} : memref<2x4x128x64xf32, #tpu.memory_space<vmem>>, vector<1x1x1x16xf32>,
        %swap3A_409 = vector.shape_cast %swap3A_408 : vector<1x1x1x16xf32> to vector<16xf32>
        %swap3A_410 = vector.shape_cast %mul3A_401 : vector<16xf32> to vector<1x1x1x16xf32>
        tpu.vector_store %arg6[%swap3A_404, %swap3A_405, %swap3A_406, %swap3A_407], %swap3A_410 {strides = array<i32>} : memref<2x4x128x64xf32, #tpu.memory_space<vmem>>, vector<1x1x1x16xf32>,
        %get3A_411 = arith.constant 1 : i32
        %get3A_412 = arith.constant 0 : i32
        %get3A_413 = arith.index_cast %get3A_411 : i32 to index
        %get3A_414 = arith.index_cast %get3A_412 : i32 to index
        %get3A_415 = arith.index_cast %scan3A_372 : i32 to index
        %get3A_416 = arith.constant 32 : index
        %get3A_417 = tpu.vector_load %arg6[%get3A_413, %get3A_414, %get3A_415, %get3A_416] {strides = array<i32>} : memref<2x4x128x64xf32, #tpu.memory_space<vmem>>, vector<1x1x1x16xf32>,
        %get3A_418 = vector.shape_cast %get3A_417 : vector<1x1x1x16xf32> to vector<16xf32>
        %mul3A_419 = arith.constant 8.000000e+00 : f32
        %mul3A_420 = vector.broadcast %mul3A_419 : f32 to vector<16xf32>
        %mul3A_421 = arith.mulf %get3A_418, %mul3A_420 : vector<16xf32>
        %swap3A_422 = arith.constant 1 : i32
        %swap3A_423 = arith.constant 0 : i32
        %swap3A_424 = arith.index_cast %swap3A_422 : i32 to index
        %swap3A_425 = arith.index_cast %swap3A_423 : i32 to index
        %swap3A_426 = arith.index_cast %scan3A_372 : i32 to index
        %swap3A_427 = arith.constant 32 : index
        %swap3A_428 = tpu.vector_load %arg6[%swap3A_424, %swap3A_425, %swap3A_426, %swap3A_427] {strides = array<i32>} : memref<2x4x128x64xf32, #tpu.memory_space<vmem>>, vector<1x1x1x16xf32>,
        %swap3A_429 = vector.shape_cast %swap3A_428 : vector<1x1x1x16xf32> to vector<16xf32>
        %swap3A_430 = vector.shape_cast %mul3A_421 : vector<16xf32> to vector<1x1x1x16xf32>
        tpu.vector_store %arg6[%swap3A_424, %swap3A_425, %swap3A_426, %swap3A_427], %swap3A_430 {strides = array<i32>} : memref<2x4x128x64xf32, #tpu.memory_space<vmem>>, vector<1x1x1x16xf32>,
        %get3A_431 = arith.constant 1 : i32
        %get3A_432 = arith.constant 0 : i32
        %get3A_433 = arith.index_cast %get3A_431 : i32 to index
        %get3A_434 = arith.index_cast %get3A_432 : i32 to index
        %get3A_435 = arith.index_cast %scan3A_372 : i32 to index
        %get3A_436 = arith.constant 48 : index
        %get3A_437 = tpu.vector_load %arg6[%get3A_433, %get3A_434, %get3A_435, %get3A_436] {strides = array<i32>} : memref<2x4x128x64xf32, #tpu.memory_space<vmem>>, vector<1x1x1x16xf32>,
        %get3A_438 = vector.shape_cast %get3A_437 : vector<1x1x1x16xf32> to vector<16xf32>
        %mul3A_439 = arith.constant 8.000000e+00 : f32
        %mul3A_440 = vector.broadcast %mul3A_439 : f32 to vector<16xf32>
        %mul3A_441 = arith.mulf %get3A_438, %mul3A_440 : vector<16xf32>
        %swap3A_442 = arith.constant 1 : i32
        %swap3A_443 = arith.constant 0 : i32
        %swap3A_444 = arith.index_cast %swap3A_442 : i32 to index
        %swap3A_445 = arith.index_cast %swap3A_443 : i32 to index
        %swap3A_446 = arith.index_cast %scan3A_372 : i32 to index
        %swap3A_447 = arith.constant 48 : index
        %swap3A_448 = tpu.vector_load %arg6[%swap3A_444, %swap3A_445, %swap3A_446, %swap3A_447] {strides = array<i32>} : memref<2x4x128x64xf32, #tpu.memory_space<vmem>>, vector<1x1x1x16xf32>,
        %swap3A_449 = vector.shape_cast %swap3A_448 : vector<1x1x1x16xf32> to vector<16xf32>
        %swap3A_450 = vector.shape_cast %mul3A_441 : vector<16xf32> to vector<1x1x1x16xf32>
        tpu.vector_store %arg6[%swap3A_444, %swap3A_445, %swap3A_446, %swap3A_447], %swap3A_450 {strides = array<i32>} : memref<2x4x128x64xf32, #tpu.memory_space<vmem>>, vector<1x1x1x16xf32>,
        %get3A_451 = arith.constant 1 : i32
        %get3A_452 = arith.constant 1 : i32
        %get3A_453 = arith.index_cast %get3A_451 : i32 to index
        %get3A_454 = arith.index_cast %get3A_452 : i32 to index
        %get3A_455 = arith.index_cast %scan3A_372 : i32 to index
        %get3A_456 = arith.constant 0 : index
        %get3A_457 = tpu.vector_load %arg6[%get3A_453, %get3A_454, %get3A_455, %get3A_456] {strides = array<i32>} : memref<2x4x128x64xf32, #tpu.memory_space<vmem>>, vector<1x1x1x16xf32>,
        %get3A_458 = vector.shape_cast %get3A_457 : vector<1x1x1x16xf32> to vector<16xf32>
        %mul3A_459 = arith.constant 8.000000e+00 : f32
        %mul3A_460 = vector.broadcast %mul3A_459 : f32 to vector<16xf32>
        %mul3A_461 = arith.mulf %get3A_458, %mul3A_460 : vector<16xf32>
        %swap3A_462 = arith.constant 1 : i32
        %swap3A_463 = arith.constant 1 : i32
        %swap3A_464 = arith.index_cast %swap3A_462 : i32 to index
        %swap3A_465 = arith.index_cast %swap3A_463 : i32 to index
        %swap3A_466 = arith.index_cast %scan3A_372 : i32 to index
        %swap3A_467 = arith.constant 0 : index
        %swap3A_468 = tpu.vector_load %arg6[%swap3A_464, %swap3A_465, %swap3A_466, %swap3A_467] {strides = array<i32>} : memref<2x4x128x64xf32, #tpu.memory_space<vmem>>, vector<1x1x1x16xf32>,
        %swap3A_469 = vector.shape_cast %swap3A_468 : vector<1x1x1x16xf32> to vector<16xf32>
        %swap3A_470 = vector.shape_cast %mul3A_461 : vector<16xf32> to vector<1x1x1x16xf32>
        tpu.vector_store %arg6[%swap3A_464, %swap3A_465, %swap3A_466, %swap3A_467], %swap3A_470 {strides = array<i32>} : memref<2x4x128x64xf32, #tpu.memory_space<vmem>>, vector<1x1x1x16xf32>,
        %get3A_471 = arith.constant 1 : i32
        %get3A_472 = arith.constant 1 : i32
        %get3A_473 = arith.index_cast %get3A_471 : i32 to index
        %get3A_474 = arith.index_cast %get3A_472 : i32 to index
        %get3A_475 = arith.index_cast %scan3A_372 : i32 to index
        %get3A_476 = arith.constant 16 : index
        %get3A_477 = tpu.vector_load %arg6[%get3A_473, %get3A_474, %get3A_475, %get3A_476] {strides = array<i32>} : memref<2x4x128x64xf32, #tpu.memory_space<vmem>>, vector<1x1x1x16xf32>,
        %get3A_478 = vector.shape_cast %get3A_477 : vector<1x1x1x16xf32> to vector<16xf32>
        %mul3A_479 = arith.constant 8.000000e+00 : f32
        %mul3A_480 = vector.broadcast %mul3A_479 : f32 to vector<16xf32>
        %mul3A_481 = arith.mulf %get3A_478, %mul3A_480 : vector<16xf32>
        %swap3A_482 = arith.constant 1 : i32
        %swap3A_483 = arith.constant 1 : i32
        %swap3A_484 = arith.index_cast %swap3A_482 : i32 to index
        %swap3A_485 = arith.index_cast %swap3A_483 : i32 to index
        %swap3A_486 = arith.index_cast %scan3A_372 : i32 to index
        %swap3A_487 = arith.constant 16 : index
        %swap3A_488 = tpu.vector_load %arg6[%swap3A_484, %swap3A_485, %swap3A_486, %swap3A_487] {strides = array<i32>} : memref<2x4x128x64xf32, #tpu.memory_space<vmem>>, vector<1x1x1x16xf32>,
        %swap3A_489 = vector.shape_cast %swap3A_488 : vector<1x1x1x16xf32> to vector<16xf32>
        %swap3A_490 = vector.shape_cast %mul3A_481 : vector<16xf32> to vector<1x1x1x16xf32>
        tpu.vector_store %arg6[%swap3A_484, %swap3A_485, %swap3A_486, %swap3A_487], %swap3A_490 {strides = array<i32>} : memref<2x4x128x64xf32, #tpu.memory_space<vmem>>, vector<1x1x1x16xf32>,
        %get3A_491 = arith.constant 1 : i32
        %get3A_492 = arith.constant 1 : i32
        %get3A_493 = arith.index_cast %get3A_491 : i32 to index
        %get3A_494 = arith.index_cast %get3A_492 : i32 to index
        %get3A_495 = arith.index_cast %scan3A_372 : i32 to index
        %get3A_496 = arith.constant 32 : index
        %get3A_497 = tpu.vector_load %arg6[%get3A_493, %get3A_494, %get3A_495, %get3A_496] {strides = array<i32>} : memref<2x4x128x64xf32, #tpu.memory_space<vmem>>, vector<1x1x1x16xf32>,
        %get3A_498 = vector.shape_cast %get3A_497 : vector<1x1x1x16xf32> to vector<16xf32>
        %mul3A_499 = arith.constant 8.000000e+00 : f32
        %mul3A_500 = vector.broadcast %mul3A_499 : f32 to vector<16xf32>
        %mul3A_501 = arith.mulf %get3A_498, %mul3A_500 : vector<16xf32>
        %swap3A_502 = arith.constant 1 : i32
        %swap3A_503 = arith.constant 1 : i32
        %swap3A_504 = arith.index_cast %swap3A_502 : i32 to index
        %swap3A_505 = arith.index_cast %swap3A_503 : i32 to index
        %swap3A_506 = arith.index_cast %scan3A_372 : i32 to index
        %swap3A_507 = arith.constant 32 : index
        %swap3A_508 = tpu.vector_load %arg6[%swap3A_504, %swap3A_505, %swap3A_506, %swap3A_507] {strides = array<i32>} : memref<2x4x128x64xf32, #tpu.memory_space<vmem>>, vector<1x1x1x16xf32>,
        %swap3A_509 = vector.shape_cast %swap3A_508 : vector<1x1x1x16xf32> to vector<16xf32>
        %swap3A_510 = vector.shape_cast %mul3A_501 : vector<16xf32> to vector<1x1x1x16xf32>
        tpu.vector_store %arg6[%swap3A_504, %swap3A_505, %swap3A_506, %swap3A_507], %swap3A_510 {strides = array<i32>} : memref<2x4x128x64xf32, #tpu.memory_space<vmem>>, vector<1x1x1x16xf32>,
        %get3A_511 = arith.constant 1 : i32
        %get3A_512 = arith.constant 1 : i32
        %get3A_513 = arith.index_cast %get3A_511 : i32 to index
        %get3A_514 = arith.index_cast %get3A_512 : i32 to index
        %get3A_515 = arith.index_cast %scan3A_372 : i32 to index
        %get3A_516 = arith.constant 48 : index
        %get3A_517 = tpu.vector_load %arg6[%get3A_513, %get3A_514, %get3A_515, %get3A_516] {strides = array<i32>} : memref<2x4x128x64xf32, #tpu.memory_space<vmem>>, vector<1x1x1x16xf32>,
        %get3A_518 = vector.shape_cast %get3A_517 : vector<1x1x1x16xf32> to vector<16xf32>
        %mul3A_519 = arith.constant 8.000000e+00 : f32
        %mul3A_520 = vector.broadcast %mul3A_519 : f32 to vector<16xf32>
        %mul3A_521 = arith.mulf %get3A_518, %mul3A_520 : vector<16xf32>
        %swap3A_522 = arith.constant 1 : i32
        %swap3A_523 = arith.constant 1 : i32
        %swap3A_524 = arith.index_cast %swap3A_522 : i32 to index
        %swap3A_525 = arith.index_cast %swap3A_523 : i32 to index
        %swap3A_526 = arith.index_cast %scan3A_372 : i32 to index
        %swap3A_527 = arith.constant 48 : index
        %swap3A_528 = tpu.vector_load %arg6[%swap3A_524, %swap3A_525, %swap3A_526, %swap3A_527] {strides = array<i32>} : memref<2x4x128x64xf32, #tpu.memory_space<vmem>>, vector<1x1x1x16xf32>,
        %swap3A_529 = vector.shape_cast %swap3A_528 : vector<1x1x1x16xf32> to vector<16xf32>
        %swap3A_530 = vector.shape_cast %mul3A_521 : vector<16xf32> to vector<1x1x1x16xf32>
        tpu.vector_store %arg6[%swap3A_524, %swap3A_525, %swap3A_526, %swap3A_527], %swap3A_530 {strides = array<i32>} : memref<2x4x128x64xf32, #tpu.memory_space<vmem>>, vector<1x1x1x16xf32>,
        %get3A_531 = arith.constant 1 : i32
        %get3A_532 = arith.constant 2 : i32
        %get3A_533 = arith.index_cast %get3A_531 : i32 to index
        %get3A_534 = arith.index_cast %get3A_532 : i32 to index
        %get3A_535 = arith.index_cast %scan3A_372 : i32 to index
        %get3A_536 = arith.constant 0 : index
        %get3A_537 = tpu.vector_load %arg6[%get3A_533, %get3A_534, %get3A_535, %get3A_536] {strides = array<i32>} : memref<2x4x128x64xf32, #tpu.memory_space<vmem>>, vector<1x1x1x16xf32>,
        %get3A_538 = vector.shape_cast %get3A_537 : vector<1x1x1x16xf32> to vector<16xf32>
        %mul3A_539 = arith.constant 8.000000e+00 : f32
        %mul3A_540 = vector.broadcast %mul3A_539 : f32 to vector<16xf32>
        %mul3A_541 = arith.mulf %get3A_538, %mul3A_540 : vector<16xf32>
        %swap3A_542 = arith.constant 1 : i32
        %swap3A_543 = arith.constant 2 : i32
        %swap3A_544 = arith.index_cast %swap3A_542 : i32 to index
        %swap3A_545 = arith.index_cast %swap3A_543 : i32 to index
        %swap3A_546 = arith.index_cast %scan3A_372 : i32 to index
        %swap3A_547 = arith.constant 0 : index
        %swap3A_548 = tpu.vector_load %arg6[%swap3A_544, %swap3A_545, %swap3A_546, %swap3A_547] {strides = array<i32>} : memref<2x4x128x64xf32, #tpu.memory_space<vmem>>, vector<1x1x1x16xf32>,
        %swap3A_549 = vector.shape_cast %swap3A_548 : vector<1x1x1x16xf32> to vector<16xf32>
        %swap3A_550 = vector.shape_cast %mul3A_541 : vector<16xf32> to vector<1x1x1x16xf32>
        tpu.vector_store %arg6[%swap3A_544, %swap3A_545, %swap3A_546, %swap3A_547], %swap3A_550 {strides = array<i32>} : memref<2x4x128x64xf32, #tpu.memory_space<vmem>>, vector<1x1x1x16xf32>,
        %get3A_551 = arith.constant 1 : i32
        %get3A_552 = arith.constant 2 : i32
        %get3A_553 = arith.index_cast %get3A_551 : i32 to index
        %get3A_554 = arith.index_cast %get3A_552 : i32 to index
        %get3A_555 = arith.index_cast %scan3A_372 : i32 to index
        %get3A_556 = arith.constant 16 : index
        %get3A_557 = tpu.vector_load %arg6[%get3A_553, %get3A_554, %get3A_555, %get3A_556] {strides = array<i32>} : memref<2x4x128x64xf32, #tpu.memory_space<vmem>>, vector<1x1x1x16xf32>,
        %get3A_558 = vector.shape_cast %get3A_557 : vector<1x1x1x16xf32> to vector<16xf32>
        %mul3A_559 = arith.constant 8.000000e+00 : f32
        %mul3A_560 = vector.broadcast %mul3A_559 : f32 to vector<16xf32>
        %mul3A_561 = arith.mulf %get3A_558, %mul3A_560 : vector<16xf32>
        %swap3A_562 = arith.constant 1 : i32
        %swap3A_563 = arith.constant 2 : i32
        %swap3A_564 = arith.index_cast %swap3A_562 : i32 to index
        %swap3A_565 = arith.index_cast %swap3A_563 : i32 to index
        %swap3A_566 = arith.index_cast %scan3A_372 : i32 to index
        %swap3A_567 = arith.constant 16 : index
        %swap3A_568 = tpu.vector_load %arg6[%swap3A_564, %swap3A_565, %swap3A_566, %swap3A_567] {strides = array<i32>} : memref<2x4x128x64xf32, #tpu.memory_space<vmem>>, vector<1x1x1x16xf32>,
        %swap3A_569 = vector.shape_cast %swap3A_568 : vector<1x1x1x16xf32> to vector<16xf32>
        %swap3A_570 = vector.shape_cast %mul3A_561 : vector<16xf32> to vector<1x1x1x16xf32>
        tpu.vector_store %arg6[%swap3A_564, %swap3A_565, %swap3A_566, %swap3A_567], %swap3A_570 {strides = array<i32>} : memref<2x4x128x64xf32, #tpu.memory_space<vmem>>, vector<1x1x1x16xf32>,
        %get3A_571 = arith.constant 1 : i32
        %get3A_572 = arith.constant 2 : i32
        %get3A_573 = arith.index_cast %get3A_571 : i32 to index
        %get3A_574 = arith.index_cast %get3A_572 : i32 to index
        %get3A_575 = arith.index_cast %scan3A_372 : i32 to index
        %get3A_576 = arith.constant 32 : index
        %get3A_577 = tpu.vector_load %arg6[%get3A_573, %get3A_574, %get3A_575, %get3A_576] {strides = array<i32>} : memref<2x4x128x64xf32, #tpu.memory_space<vmem>>, vector<1x1x1x16xf32>,
        %get3A_578 = vector.shape_cast %get3A_577 : vector<1x1x1x16xf32> to vector<16xf32>
        %mul3A_579 = arith.constant 8.000000e+00 : f32
        %mul3A_580 = vector.broadcast %mul3A_579 : f32 to vector<16xf32>
        %mul3A_581 = arith.mulf %get3A_578, %mul3A_580 : vector<16xf32>
        %swap3A_582 = arith.constant 1 : i32
        %swap3A_583 = arith.constant 2 : i32
        %swap3A_584 = arith.index_cast %swap3A_582 : i32 to index
        %swap3A_585 = arith.index_cast %swap3A_583 : i32 to index
        %swap3A_586 = arith.index_cast %scan3A_372 : i32 to index
        %swap3A_587 = arith.constant 32 : index
        %swap3A_588 = tpu.vector_load %arg6[%swap3A_584, %swap3A_585, %swap3A_586, %swap3A_587] {strides = array<i32>} : memref<2x4x128x64xf32, #tpu.memory_space<vmem>>, vector<1x1x1x16xf32>,
        %swap3A_589 = vector.shape_cast %swap3A_588 : vector<1x1x1x16xf32> to vector<16xf32>
        %swap3A_590 = vector.shape_cast %mul3A_581 : vector<16xf32> to vector<1x1x1x16xf32>
        tpu.vector_store %arg6[%swap3A_584, %swap3A_585, %swap3A_586, %swap3A_587], %swap3A_590 {strides = array<i32>} : memref<2x4x128x64xf32, #tpu.memory_space<vmem>>, vector<1x1x1x16xf32>,
        %get3A_591 = arith.constant 1 : i32
        %get3A_592 = arith.constant 2 : i32
        %get3A_593 = arith.index_cast %get3A_591 : i32 to index
        %get3A_594 = arith.index_cast %get3A_592 : i32 to index
        %get3A_595 = arith.index_cast %scan3A_372 : i32 to index
        %get3A_596 = arith.constant 48 : index
        %get3A_597 = tpu.vector_load %arg6[%get3A_593, %get3A_594, %get3A_595, %get3A_596] {strides = array<i32>} : memref<2x4x128x64xf32, #tpu.memory_space<vmem>>, vector<1x1x1x16xf32>,
        %get3A_598 = vector.shape_cast %get3A_597 : vector<1x1x1x16xf32> to vector<16xf32>
        %mul3A_599 = arith.constant 8.000000e+00 : f32
        %mul3A_600 = vector.broadcast %mul3A_599 : f32 to vector<16xf32>
        %mul3A_601 = arith.mulf %get3A_598, %mul3A_600 : vector<16xf32>
        %swap3A_602 = arith.constant 1 : i32
        %swap3A_603 = arith.constant 2 : i32
        %swap3A_604 = arith.index_cast %swap3A_602 : i32 to index
        %swap3A_605 = arith.index_cast %swap3A_603 : i32 to index
        %swap3A_606 = arith.index_cast %scan3A_372 : i32 to index
        %swap3A_607 = arith.constant 48 : index
        %swap3A_608 = tpu.vector_load %arg6[%swap3A_604, %swap3A_605, %swap3A_606, %swap3A_607] {strides = array<i32>} : memref<2x4x128x64xf32, #tpu.memory_space<vmem>>, vector<1x1x1x16xf32>,
        %swap3A_609 = vector.shape_cast %swap3A_608 : vector<1x1x1x16xf32> to vector<16xf32>
        %swap3A_610 = vector.shape_cast %mul3A_601 : vector<16xf32> to vector<1x1x1x16xf32>
        tpu.vector_store %arg6[%swap3A_604, %swap3A_605, %swap3A_606, %swap3A_607], %swap3A_610 {strides = array<i32>} : memref<2x4x128x64xf32, #tpu.memory_space<vmem>>, vector<1x1x1x16xf32>,
        %get3A_611 = arith.constant 1 : i32
        %get3A_612 = arith.constant 3 : i32
        %get3A_613 = arith.index_cast %get3A_611 : i32 to index
        %get3A_614 = arith.index_cast %get3A_612 : i32 to index
        %get3A_615 = arith.index_cast %scan3A_372 : i32 to index
        %get3A_616 = arith.constant 0 : index
        %get3A_617 = tpu.vector_load %arg6[%get3A_613, %get3A_614, %get3A_615, %get3A_616] {strides = array<i32>} : memref<2x4x128x64xf32, #tpu.memory_space<vmem>>, vector<1x1x1x16xf32>,
        %get3A_618 = vector.shape_cast %get3A_617 : vector<1x1x1x16xf32> to vector<16xf32>
        %mul3A_619 = arith.constant 8.000000e+00 : f32
        %mul3A_620 = vector.broadcast %mul3A_619 : f32 to vector<16xf32>
        %mul3A_621 = arith.mulf %get3A_618, %mul3A_620 : vector<16xf32>
        %swap3A_622 = arith.constant 1 : i32
        %swap3A_623 = arith.constant 3 : i32
        %swap3A_624 = arith.index_cast %swap3A_622 : i32 to index
        %swap3A_625 = arith.index_cast %swap3A_623 : i32 to index
        %swap3A_626 = arith.index_cast %scan3A_372 : i32 to index
        %swap3A_627 = arith.constant 0 : index
        %swap3A_628 = tpu.vector_load %arg6[%swap3A_624, %swap3A_625, %swap3A_626, %swap3A_627] {strides = array<i32>} : memref<2x4x128x64xf32, #tpu.memory_space<vmem>>, vector<1x1x1x16xf32>,
        %swap3A_629 = vector.shape_cast %swap3A_628 : vector<1x1x1x16xf32> to vector<16xf32>
        %swap3A_630 = vector.shape_cast %mul3A_621 : vector<16xf32> to vector<1x1x1x16xf32>
        tpu.vector_store %arg6[%swap3A_624, %swap3A_625, %swap3A_626, %swap3A_627], %swap3A_630 {strides = array<i32>} : memref<2x4x128x64xf32, #tpu.memory_space<vmem>>, vector<1x1x1x16xf32>,
        %get3A_631 = arith.constant 1 : i32
        %get3A_632 = arith.constant 3 : i32
        %get3A_633 = arith.index_cast %get3A_631 : i32 to index
        %get3A_634 = arith.index_cast %get3A_632 : i32 to index
        %get3A_635 = arith.index_cast %scan3A_372 : i32 to index
        %get3A_636 = arith.constant 16 : index
        %get3A_637 = tpu.vector_load %arg6[%get3A_633, %get3A_634, %get3A_635, %get3A_636] {strides = array<i32>} : memref<2x4x128x64xf32, #tpu.memory_space<vmem>>, vector<1x1x1x16xf32>,
        %get3A_638 = vector.shape_cast %get3A_637 : vector<1x1x1x16xf32> to vector<16xf32>
        %mul3A_639 = arith.constant 8.000000e+00 : f32
        %mul3A_640 = vector.broadcast %mul3A_639 : f32 to vector<16xf32>
        %mul3A_641 = arith.mulf %get3A_638, %mul3A_640 : vector<16xf32>
        %swap3A_642 = arith.constant 1 : i32
        %swap3A_643 = arith.constant 3 : i32
        %swap3A_644 = arith.index_cast %swap3A_642 : i32 to index
        %swap3A_645 = arith.index_cast %swap3A_643 : i32 to index
        %swap3A_646 = arith.index_cast %scan3A_372 : i32 to index
        %swap3A_647 = arith.constant 16 : index
        %swap3A_648 = tpu.vector_load %arg6[%swap3A_644, %swap3A_645, %swap3A_646, %swap3A_647] {strides = array<i32>} : memref<2x4x128x64xf32, #tpu.memory_space<vmem>>, vector<1x1x1x16xf32>,
        %swap3A_649 = vector.shape_cast %swap3A_648 : vector<1x1x1x16xf32> to vector<16xf32>
        %swap3A_650 = vector.shape_cast %mul3A_641 : vector<16xf32> to vector<1x1x1x16xf32>
        tpu.vector_store %arg6[%swap3A_644, %swap3A_645, %swap3A_646, %swap3A_647], %swap3A_650 {strides = array<i32>} : memref<2x4x128x64xf32, #tpu.memory_space<vmem>>, vector<1x1x1x16xf32>,
        %get3A_651 = arith.constant 1 : i32
        %get3A_652 = arith.constant 3 : i32
        %get3A_653 = arith.index_cast %get3A_651 : i32 to index
        %get3A_654 = arith.index_cast %get3A_652 : i32 to index
        %get3A_655 = arith.index_cast %scan3A_372 : i32 to index
        %get3A_656 = arith.constant 32 : index
        %get3A_657 = tpu.vector_load %arg6[%get3A_653, %get3A_654, %get3A_655, %get3A_656] {strides = array<i32>} : memref<2x4x128x64xf32, #tpu.memory_space<vmem>>, vector<1x1x1x16xf32>,
        %get3A_658 = vector.shape_cast %get3A_657 : vector<1x1x1x16xf32> to vector<16xf32>
        %mul3A_659 = arith.constant 8.000000e+00 : f32
        %mul3A_660 = vector.broadcast %mul3A_659 : f32 to vector<16xf32>
        %mul3A_661 = arith.mulf %get3A_658, %mul3A_660 : vector<16xf32>
        %swap3A_662 = arith.constant 1 : i32
        %swap3A_663 = arith.constant 3 : i32
        %swap3A_664 = arith.index_cast %swap3A_662 : i32 to index
        %swap3A_665 = arith.index_cast %swap3A_663 : i32 to index
        %swap3A_666 = arith.index_cast %scan3A_372 : i32 to index
        %swap3A_667 = arith.constant 32 : index
        %swap3A_668 = tpu.vector_load %arg6[%swap3A_664, %swap3A_665, %swap3A_666, %swap3A_667] {strides = array<i32>} : memref<2x4x128x64xf32, #tpu.memory_space<vmem>>, vector<1x1x1x16xf32>,
        %swap3A_669 = vector.shape_cast %swap3A_668 : vector<1x1x1x16xf32> to vector<16xf32>
        %swap3A_670 = vector.shape_cast %mul3A_661 : vector<16xf32> to vector<1x1x1x16xf32>
        tpu.vector_store %arg6[%swap3A_664, %swap3A_665, %swap3A_666, %swap3A_667], %swap3A_670 {strides = array<i32>} : memref<2x4x128x64xf32, #tpu.memory_space<vmem>>, vector<1x1x1x16xf32>,
        %get3A_671 = arith.constant 1 : i32
        %get3A_672 = arith.constant 3 : i32
        %get3A_673 = arith.index_cast %get3A_671 : i32 to index
        %get3A_674 = arith.index_cast %get3A_672 : i32 to index
        %get3A_675 = arith.index_cast %scan3A_372 : i32 to index
        %get3A_676 = arith.constant 48 : index
        %get3A_677 = tpu.vector_load %arg6[%get3A_673, %get3A_674, %get3A_675, %get3A_676] {strides = array<i32>} : memref<2x4x128x64xf32, #tpu.memory_space<vmem>>, vector<1x1x1x16xf32>,
        %get3A_678 = vector.shape_cast %get3A_677 : vector<1x1x1x16xf32> to vector<16xf32>
        %mul3A_679 = arith.constant 8.000000e+00 : f32
        %mul3A_680 = vector.broadcast %mul3A_679 : f32 to vector<16xf32>
        %mul3A_681 = arith.mulf %get3A_678, %mul3A_680 : vector<16xf32>
        %swap3A_682 = arith.constant 1 : i32
        %swap3A_683 = arith.constant 3 : i32
        %swap3A_684 = arith.index_cast %swap3A_682 : i32 to index
        %swap3A_685 = arith.index_cast %swap3A_683 : i32 to index
        %swap3A_686 = arith.index_cast %scan3A_372 : i32 to index
        %swap3A_687 = arith.constant 48 : index
        %swap3A_688 = tpu.vector_load %arg6[%swap3A_684, %swap3A_685, %swap3A_686, %swap3A_687] {strides = array<i32>} : memref<2x4x128x64xf32, #tpu.memory_space<vmem>>, vector<1x1x1x16xf32>,
        %swap3A_689 = vector.shape_cast %swap3A_688 : vector<1x1x1x16xf32> to vector<16xf32>
        %swap3A_690 = vector.shape_cast %mul3A_681 : vector<16xf32> to vector<1x1x1x16xf32>
        tpu.vector_store %arg6[%swap3A_684, %swap3A_685, %swap3A_686, %swap3A_687], %swap3A_690 {strides = array<i32>} : memref<2x4x128x64xf32, #tpu.memory_space<vmem>>, vector<1x1x1x16xf32>,
      }
      %scan3A_351 = arith.constant 128 : i32
      %mul3A_352 = arith.constant 4 : i32
      %mul3A_353 = arith.muli %add3A_247, %mul3A_352 : i32
      %add3A_354 = arith.addi %mul3A_2, %mul3A_353 : i32
      %dma_start3A_355 = arith.constant 1 : i32
      %dma_start3A_356 = arith.constant 0 : i32
      %dma_start3A_357 = arith.constant 0 : i32
      %dma_start3A_358 = arith.constant 0 : i32
      %dma_start3A_359 = tpu.memref_slice %arg6[%dma_start3A_355, %dma_start3A_356, %dma_start3A_357, %dma_start3A_358] : memref<2x4x128x64xf32, #tpu.memory_space<vmem>> -> memref<1x4x128x64xf32, #tpu.memory_space<vmem>>
      %dma_start3A_360 = tpu.memref_squeeze %dma_start3A_359 : memref<1x4x128x64xf32, #tpu.memory_space<vmem>> -> memref<4x128x64xf32, #tpu.memory_space<vmem>>
      %dma_start3A_361 = arith.constant 0 : i32
      %dma_start3A_362 = arith.constant 0 : i32
      %dma_start3A_363 = tpu.memref_slice %arg4[%add3A_354, %dma_start3A_361, %dma_start3A_362] : memref<25600x128x64xf32, #tpu.memory_space<hbm>> -> memref<4x128x64xf32, #tpu.memory_space<hbm>>
      %dma_start3A_364 = arith.constant 0 : i32
      %dma_start3A_365 = arith.constant 0 : i32
      %dma_start3A_366 = tpu.memref_slice %arg4[%add3A_354, %dma_start3A_364, %dma_start3A_365] : memref<25600x128x64xf32, #tpu.memory_space<hbm>> -> memref<4x128x64xf32, #tpu.memory_space<hbm>>
      %dma_start3A_367 = arith.constant 0 : i32
      %dma_start3A_368 = arith.constant 0 : i32
      %dma_start3A_369 = arith.constant 0 : i32
      %dma_start3A_370 = tpu.memref_slice %arg6[%dma_start3A_355, %dma_start3A_367, %dma_start3A_368, %dma_start3A_369] : memref<2x4x128x64xf32, #tpu.memory_space<vmem>> -> memref<1x4x128x64xf32, #tpu.memory_space<vmem>>
      %dma_start3A_371 = tpu.memref_squeeze %dma_start3A_370 : memref<1x4x128x64xf32, #tpu.memory_space<vmem>> -> memref<4x128x64xf32, #tpu.memory_space<vmem>>
      tpu.enqueue_dma source(%dma_start3A_371 : memref<4x128x64xf32, #tpu.memory_space<vmem>>) target(%dma_start3A_366 : memref<4x128x64xf32, #tpu.memory_space<hbm>>) target_semaphore(%arg10 : memref<!tpu.dma_semaphore, #tpu.memory_space<semaphore_mem>>)
    }
    %scan3A_99 = arith.constant 100 : i32
    %dma_wait3A = arith.constant 1 : i32
    %dma_wait3A_100 = arith.constant 0 : i32
    %dma_wait3A_101 = arith.constant 0 : i32
    %dma_wait3A_102 = arith.constant 0 : i32
    %dma_wait3A_103 = tpu.memref_slice %arg6[%dma_wait3A, %dma_wait3A_100, %dma_wait3A_101, %dma_wait3A_102] : memref<2x4x128x64xf32, #tpu.memory_space<vmem>> -> memref<1x4x128x64xf32, #tpu.memory_space<vmem>>
    %dma_wait3A_104 = tpu.memref_squeeze %dma_wait3A_103 : memref<1x4x128x64xf32, #tpu.memory_space<vmem>> -> memref<4x128x64xf32, #tpu.memory_space<vmem>>
    %dma_wait3A_105 = arith.constant 0 : i32
    %dma_wait3A_106 = arith.constant 0 : i32
    %dma_wait3A_107 = arith.constant 0 : i32
    %dma_wait3A_108 = tpu.memref_slice %arg4[%dma_wait3A_105, %dma_wait3A_106, %dma_wait3A_107] : memref<25600x128x64xf32, #tpu.memory_space<hbm>> -> memref<4x128x64xf32, #tpu.memory_space<hbm>>
    %dma_wait3A_109 = arith.constant 0 : i32
    %dma_wait3A_110 = arith.constant 0 : i32
    %dma_wait3A_111 = arith.constant 0 : i32
    %dma_wait3A_112 = tpu.memref_slice %arg4[%dma_wait3A_109, %dma_wait3A_110, %dma_wait3A_111] : memref<25600x128x64xf32, #tpu.memory_space<hbm>> -> memref<4x128x64xf32, #tpu.memory_space<hbm>>
    %dma_wait3A_113 = arith.constant 0 : i32
    %dma_wait3A_114 = arith.constant 0 : i32
    %dma_wait3A_115 = arith.constant 0 : i32
    %dma_wait3A_116 = tpu.memref_slice %arg6[%dma_wait3A, %dma_wait3A_113, %dma_wait3A_114, %dma_wait3A_115] : memref<2x4x128x64xf32, #tpu.memory_space<vmem>> -> memref<1x4x128x64xf32, #tpu.memory_space<vmem>>
    %dma_wait3A_117 = tpu.memref_squeeze %dma_wait3A_116 : memref<1x4x128x64xf32, #tpu.memory_space<vmem>> -> memref<4x128x64xf32, #tpu.memory_space<vmem>>
    tpu.wait_dma2 semaphore(%arg10 : memref<!tpu.dma_semaphore, #tpu.memory_space<semaphore_mem>>) src(%dma_wait3A_117 : memref<4x128x64xf32, #tpu.memory_space<vmem>>) dst(%dma_wait3A_112 : memref<4x128x64xf32, #tpu.memory_space<hbm>>)
    return
  }
}

</mosaic_0001>

<sc_bundles>
// kernel: kernel.3.cloned.1.call-start
scs
__scs_entry_jumppad:
0x0: {  	(pc) =	sbr.rel $0x88, $3  }
0x1: {  	(tag) =	ssettag $0x0;
	lr =	simm.s32 $0x1  }
0x2: {  	[smem:$0x3F9F] =	sst lr;
	_ =	strace $0xD0000000  }
0x3: {  	_ = 	snop  }
0x4: {  	_ = 	snop  }
0x5: {  	_ = 	snop  }
0x6: {  	_ = 	snop  }
0x7: {  	_ = 	snop  }
__scs_overlays_trampoline_lowered:
0x8: {  	[smem:$0x3FAE] =	sst s0  }
0x9: {  	[smem:$0x3FAF] =	sst s1  }
0xa: {  	[smem:$0x3FB0] =	sst s2  }
0xb: {  	[smem:$0x3FB1] =	sst s3  }
0xc: {  	[smem:$0x3FB2] =	sst s4  }
0xd: {  	[smem:$0x3FB3] =	sst s5  }
0xe: {  	[smem:$0x3FB4] =	sst s6  }
0xf: {  	[smem:$0x3FB5] =	sst s7  }
0x10: {  	[smem:$0x3FB6] =	sst s8  }
0x11: {  	[smem:$0x3FB7] =	sst s9;
	s0 =	simm.s32 @!p0 $0x0  }
0x12: {  	s1 =	sld [smem:$0x3F9D];
	s0 =	simm.s32 @p0 $0x1  }
0x13: {  	[smem:$0x3FB8] =	sst s0;
	s0 =	simm.s32 @!p1 $0x0  }
0x14: {  	s2 =	sld [smem:$0x3F9C];
	s0 =	simm.s32 @p1 $0x1  }
0x15: {  	[smem:$0x3FB9] =	sst s0;
	s0 =	simm.s32 @!p2 $0x0  }
0x16: {  	s3 =	sld [smem:$0x3FDB];
	s0 =	simm.s32 @p2 $0x1  }
0x17: {  	s4 =	simm.s32 $0x1BF5;
	[smem:$0x3FBB] =	sst s0  }
0x18: {  	s0 =	sld [smem:$0x3F9E];
	_ =	swait.ge [sflag:s4], $0x0  }
0x19: {  	s7 =	sld [smem:$0x3F9F]  }
0x1a: {  	s8 =	sadd.s32 $0xFFFFE003, lr  }
0x1b: {  	s9 =	sadd.s32 $0xFFFFFEF7, lr;
	s5 =	simm.s32 $0xFFFFFFFF;
	p2 =	slt.u32 s8, $0xFFFFF086  }
0x1c: {  	p1 =	slt.u32 s9, $0xF7A;
	s5 =	simm.s32 @!p2 $0x0  }
0x1d: {  	s5 =	simm.s32 @p1 $0x1;
	p0 =	seq.s32 s7, s2  }
0x1e: {  	s7 =	smul.u32 @!p0 $0xF7A, s2;
	p2 =	seq.s32 @!p0 s5, $0x0  }
0x1f: {  	s9 =	smul.u32 $0xF7A, s1;
	s8 =	simm.s32 @!p0 $0x1BF5;
	p2 =	por !p2, p0  }
0x20: {  	[sflag:s8] =	ssyncset.s32 @!p0 $0xFFFFF086;
	s6 =	sadd.s32 @!p0 s3, s7;
	s7 =	simm.s32 @!p0 $0x108  }
0x21: {  	s3 =	sadd.s32 s3, s9;
	s6 =	sadd.s32 @!p0 $0x88, s6;
	s7 =	simm.s32 @p2 $0x1082  }
0x22: {  	[simem:s7], [sflag:s8] =	dma.local @!p0 [hbm:s6], $0xF7A  }
0x23: {  	s9 =	sor.u32 $0xD0000000, s2;
	s6 =	simm.s32 $0x108;
	_ =	swait.ge @!p0 [sflag:s8], $0x0  }
0x24: {  	s3 =	sadd.s32 $0x88, s3;
	s6 =	simm.s32 @!p1 $0x1082;
	[sflag:s4] =	ssyncset.s32 $0xFFFFF086  }
0x25: {  	[simem:s6], [sflag:s4] =	dma.local [hbm:s3], $0xF7A  }
0x26: {  	[smem:$0x3F9F] =	sst s1;
	(tag) =	ssettag s2;
	_ =	strace s9  }
0x27: {  	s1 =	sld [smem:$0x3FAF]  }
0x28: {  	s2 =	sld [smem:$0x3FB0]  }
0x29: {  	s4 =	sld [smem:$0x3FB2]  }
0x2a: {  	p0 =	seq.s32 s5, $0x0;
	s5 =	sld [smem:$0x3FB3]  }
0x2b: {  	s6 =	sld [smem:$0x3FB4]  }
0x2c: {  	s7 =	sld [smem:$0x3FB5]  }
0x2d: {  	s3 =	simm.s32 $0x108;
	s8 =	sld [smem:$0x3FB6]  }
0x2e: {  	s3 =	simm.s32 @!p0 $0x1082;
	s9 =	sld [smem:$0x3FB7]  }
0x2f: {  	lr =	sadd.s32 s0, s3;
	s0 =	sld [smem:$0x3FAE]  }
0x30: {  	s3 =	sld [smem:$0x3FB1]  }
0x31: {  	[smem:$0x3FBA] =	sst s10  }
0x32: {  	s10 =	sld [smem:$0x3FB8];
	_ =	sdelay $0x3  }
0x33: {  	p0 =	seq.s32 s10, $0x1;
	s10 =	sld [smem:$0x3FBA];
	_ =	sdelay $0x3  }
0x34: {  	[smem:$0x3FBA] =	sst s10  }
0x35: {  	s10 =	sld [smem:$0x3FB9];
	_ =	sdelay $0x3  }
0x36: {  	p1 =	seq.s32 s10, $0x1;
	s10 =	sld [smem:$0x3FBA];
	_ =	sdelay $0x3  }
0x37: {  	[smem:$0x3FBA] =	sst s10  }
0x38: {  	s10 =	sld [smem:$0x3FBB]  }
0x39: {  	_ = 	snop;
	(pc) =	sbr.ind lr, $3  }
0x3a: {  	_ = 	snop  }
0x3b: {  	_ = 	snop  }
0x3c: {  	p2 =	seq.s32 s10, $0x1;
	s10 =	sld [smem:$0x3FBA]  }
0x3d: {  	_ =	shalt  }
0x3e: {  	_ =	shalt  }
0x3f: {  	_ =	shalt  }
0x40: {  	_ =	shalt  }
0x41: {  	_ =	shalt  }
0x42: {  	_ =	shalt  }
0x43: {  	_ =	shalt  }
0x44: {  	_ =	shalt  }
0x45: {  	_ =	shalt  }
0x46: {  	_ =	shalt  }
0x47: {  	_ =	shalt  }
0x48: {  	_ =	shalt  }
0x49: {  	_ =	shalt  }
0x4a: {  	_ =	shalt  }
0x4b: {  	_ =	shalt  }
0x4c: {  	_ =	shalt  }
0x4d: {  	_ =	shalt  }
0x4e: {  	_ =	shalt  }
0x4f: {  	_ =	shalt  }
0x50: {  	_ =	shalt  }
0x51: {  	_ =	shalt  }
0x52: {  	_ =	shalt  }
0x53: {  	_ =	shalt  }
0x54: {  	_ =	shalt  }
0x55: {  	_ =	shalt  }
0x56: {  	_ =	shalt  }
0x57: {  	_ =	shalt  }
0x58: {  	_ =	shalt  }
0x59: {  	_ =	shalt  }
0x5a: {  	_ =	shalt  }
0x5b: {  	_ =	shalt  }
0x5c: {  	_ =	shalt  }
0x5d: {  	_ =	shalt  }
0x5e: {  	_ =	shalt  }
0x5f: {  	_ =	shalt  }
0x60: {  	_ =	shalt  }
0x61: {  	_ =	shalt  }
0x62: {  	_ =	shalt  }
0x63: {  	_ =	shalt  }
0x64: {  	_ =	shalt  }
0x65: {  	_ =	shalt  }
0x66: {  	_ =	shalt  }
0x67: {  	_ =	shalt  }
0x68: {  	_ =	shalt  }
0x69: {  	_ =	shalt  }
0x6a: {  	_ =	shalt  }
0x6b: {  	_ =	shalt  }
0x6c: {  	_ =	shalt  }
0x6d: {  	_ =	shalt  }
0x6e: {  	_ =	shalt  }
0x6f: {  	_ =	shalt  }
0x70: {  	_ =	shalt  }
0x71: {  	_ =	shalt  }
0x72: {  	_ =	shalt  }
0x73: {  	_ =	shalt  }
0x74: {  	_ =	shalt  }
0x75: {  	_ =	shalt  }
0x76: {  	_ =	shalt  }
0x77: {  	_ =	shalt  }
0x78: {  	_ =	shalt  }
0x79: {  	_ =	shalt  }
0x7a: {  	_ =	shalt  }
0x7b: {  	_ =	shalt  }
0x7c: {  	_ =	shalt  }
0x7d: {  	_ =	shalt  }
0x7e: {  	_ =	shalt  }
0x7f: {  	_ =	shalt  }
0x80: {  	_ =	shalt  }
0x81: {  	_ =	shalt  }
0x82: {  	_ =	shalt  }
0x83: {  	_ =	shalt  }
0x84: {  	_ =	shalt  }
0x85: {  	_ =	shalt  }
0x86: {  	_ =	shalt  }
0x87: {  	_ =	shalt  }
.Lfunc_end0:
.L_simem_size_0:
called_computation.1_lowered:
.L_overlay_start_0:
0x88: {  	s2 =	sld [smem:$0x3FD9]  }
0x89: {  	s3 =	sld [smem:$0x3FFE];
	_ =	sdelay $0x1  }
0x8a: {  	s1 =	srdreg.scid  }
0x8b: {  	s0 =	sand.u32 $0x1, s1  }
0x8c: {  	s17 =	sshll.u32 s0, $0xA;
	s2 =	sadd.s32 s3, s2  }
0x8d: {  	s2 =	sadd.s32 s2, s17  }
0x8e: {  	[smem:$0x3FC6] =	sst s2  }
0x8f: {  	_ = 	snop  }
0x90: {  	s2 =	sld [smem:$0x3FD0];
	(tm) =	ssettm $0x1  }
0x91: {  	s18 =	sld [smem:$0x3FFB];
	_ =	sdelay $0x3  }
0x92: {  	_ =	strace s18  }
0x93: {  	s3 =	sld [smem:$0x3FFC];
	_ =	sdelay $0x3  }
0x94: {  	_ =	strace s3  }
0x95: {  	s3 =	sld [smem:$0x3FFD];
	_ =	sdelay $0x3  }
0x96: {  	_ =	strace s3  }
0x97: {  	_ =	strace $0x8FFFFFFF  }
0x98: {  	s19 =	sld [smem:$0x3FDB];
	_ =	sdelay $0x1  }
0x99: {  	s4 =	simm.s32 $_scs_section_size  }
0x9a: {  	s5 =	simm.s32 $_size__tile_overlayer_lowered;
	s6 =	simm.s32 $_tile_overlayer_lowered  }
0x9b: {  	s22 =	simm.s32 $0x1BFF;
	s21 =	sshll.u32 s6, $0x1;
	s3 =	sadd.s32 s4, s19  }
0x9c: {  	s7 =	simm.s32 $0x0;
	s20 =	sshll.u32 s5, $0x1;
	s5 =	sadd.s32 s21, s3  }
0x9d: {  	[timem:s7], [sflag:s22] =	dma.local [hbm:s5], s20  }
0x9e: {  	_ =	swait.ge [sflag:s22], s20  }
0x9f: {  	s4 =	ssub.s32 $0x0, s20;
	[sflag:s22] =	ssyncset.done $0x0  }
0xa0: {  	[sflag:s22] =	ssyncadd.s32 s4;
	_ =	sdelay $0x1  }
0xa1: {  	s23 =	simm.s32 $0x1B8B  }
0xa2: {  	_ =	swait.ge [sflag:s23], $0x1  }
0xa3: {  	[sflag:s23] =	ssyncset.done $0x0  }
0xa4: {  	s25 =	simm.s32 $0x1B8E;
	s24 =	sld [smem:$0x3FFE];
	[sflag:s23] =	ssyncadd.s32 $0xFFFFFFFF  }
0xa5: {  	s26 =	simm.s32 $execute0_lowered;
	[smem:$0x3FD2] =	sst s25  }
0xa6: {  	s5 =	sshll.u32 s26, $0x1;
	_ =	strace $0x80000046;
	[dreg:$0x1] =	wrdreg $0xFFFFFFFF  }
0xa7: {  	s28 =	simm.s32 $_size_execute0_lowered;
	s3 =	sadd.s32 s3, s5;
	[dreg:$0x0] =	wrdreg $0x0  }
0xa8: {  	s5 =	sshll.u32 s28, $0x1;
	[dreg:$0x2] =	wrdreg s3  }
0xa9: {  	[dreg:$0x3] =	wrdreg s5  }
0xaa: {  	[dreg:$0x4] =	wrdreg $0xC0  }
0xab: {  	_ =	task [dreg:s7], $0x5FFFF  }
0xac: {  	[dreg:$0x1] =	wrdreg $0xFFFFFFFF  }
0xad: {  	[dreg:$0x0] =	wrdreg $0x60  }
0xae: {  	[dreg:$0x2] =	wrdreg s24  }
0xaf: {  	[dreg:$0x3] =	wrdreg s2  }
0xb0: {  	[dreg:$0x4] =	wrdreg $0x9  }
0xb1: {  	_ =	task.clear_ibuf [dreg:s7], $0x5FFFF;
	_ =	strace $0x90000046  }
0xb2: {  	s29 =	simm.s32 $0x9;
	_ =	strace $0x80000048  }
0xb3: {  	_ =	swait.ge [sflag:s29], $0x1  }
0xb4: {  	[sflag:s29] =	ssyncadd.s32 $0xFFFFFFFF  }
0xb5: {  	_ =	strace $0x90000048  }
0xb6: {  	_ =	sfence  }
0xb7: {  	s30 =	sld [smem:$0x0];
	_ =	sdelay $0x2  }
0xb8: {  	s31 =	sshll.u32 s1, $0xD;
	s1 =	sshrl.u32 s1, $0x2  }
0xb9: {  	s3 =	sand.u32 $0x4000, s31;
	s1 =	sadd.s32 s1, s30  }
0xba: {  	s0 =	sor.u32 s3, s0;
	s1 =	sshll.u32 s1, $0x11  }
0xbb: {  	s0 =	sor.u32 s1, s0  }
0xbc: {  	s0 =	sadd.s32 $0x8F2B, s0  }
0xbd: {  	[sflag:s0] =	ssyncadd.remote.s32 $0x1  }
0xbe: {  	_ =	sfence.sel $0xFFFF  }
0xbf: {  	[dreg:$0x0] =	wrdreg $0xFFFFFFFF;
	(pc) =	sbr.abs _section_cstart, $3  }
0xc0: {  	[dreg:$0x1] =	wrdreg $0xFFFFFFFF  }
0xc1: {  	_ =	task.clear_ibuf [dreg:s7], $0x2FFFF;
	_ =	strace $0x9FFFFFFF  }
0xc2: {  	(tm) =	ssettm $0x7FFFFFFF  }
0xc3: {  	_ =	shalt  }
tec
execute0_lowered:
.L_overlay_start_1:
0x0: {  	(tag) =	ssettag $0x1  }
0x1: {  	s0 =	rddreg [dreg:$0x0];
	s1 =	srdreg.scid  }
0x2: {  	s3 =	stileid.u32;
	s2 =	rddreg [dreg:$0x1];
	s11 =	simm.s32 $0x5  }
0x3: {  	s12 =	simm.s32 $0x80;
	s13 =	simm.s32 $0x400;
	s17 =	simm.s32 $0x180  }
0x4: {  	s18 =	simm.s32 $0x6400;
	s19 =	simm.s32 $0x1;
	s20 =	simm.s32 $0x200  }
0x5: {  	s21 =	simm.s32 $0x8400;
	s22 =	simm.s32 $0x280;
	s23 =	simm.s32 $0xA400  }
0x6: {  	s24 =	simm.s32 $0x300;
	s25 =	simm.s32 $0xC400;
	s28 =	simm.s32 $0xE400  }
0x7: {  	s29 =	simm.s32 $0x2;
	s30 =	simm.s32 $0x4;
	s31 =	simm.s32 $0x0  }
0x8: {  	s1 =	sand.u32 $0x1, s1;
	s4 =	sshll.u32 s3, $0x1;
	s3 =	simm.s32 $0x0  }
0x9: {  	s5 =	sadd.s32 $0x800, s0;
	s6 =	sadd.s32 $0x64800, s0;
	s8 =	sor.u32 s1, s4  }
0xa: {  	[smem:$0x7FF] =	sst s3;
	s1 =	ssub.s32 $0x2, s1;
	s7 =	smul.u32 $0x3200, s8  }
0xb: {  	_ =	strace $0x80000047;
	s9 =	sshrl.u32 s1, $0x1;
	s4 =	smul.u32 $0x19000, s8  }
0xc: {  	s8 =	smul.u32 $0x640000, s8;
	s26 =	ssub.s32 s1, s9;
	s7 =	sadd.s32 s5, s7  }
0xd: {  	s9 =	sor.u32 $0x400, s4;
	s10 =	smax.u32 s26, $0x1;
	s26 =	simm.s32 $0x380  }
.LBB2_1:
0xe: {  	[tilespmem:s3], [sflag:$0x5] =	stream.linear.gather [hbm4b:s7+s3], $0x200, $0x38;
	[tilespmem:$0x10400] =	vst v63  }
0xf: {  	_ =	swait.ge [sflag:s11], $0x200  }
0x10: {  	[sflag:s11] =	ssyncset.done $0x0  }
0x11: {  	[sflag:s11] =	ssyncadd.s32 $0xFFFFFE00  }
0x12: {  	[tilespmem:s13], [sflag:$0x1] =	stream.indirect.gather [hbm4b:s6+s12], $0x40, s3, s12, $0xb8;
	[tilespmem:$0x10400] =	vst v63  }
0x13: {  	s0 =	simm.s32 $0x2400  }
0x14: {  	[tilespmem:s0], [sflag:$0x1] =	stream.indirect.gather [hbm4b:s6+s12], $0x40, s12, s12, $0xb8;
	[tilespmem:$0x10400] =	vst v63  }
0x15: {  	s16 =	simm.s32 $0x100;
	s1 =	simm.s32 $0x4400  }
0x16: {  	[tilespmem:s1], [sflag:$0x1] =	stream.indirect.gather [hbm4b:s6+s12], $0x40, s16, s12, $0xb8;
	[tilespmem:$0x10400] =	vst v63  }
0x17: {  	s1 =	simm.s32 $0x0  }
0x18: {  	[tilespmem:s18], [sflag:$0x1] =	stream.indirect.gather [hbm4b:s6+s12], $0x40, s17, s12, $0xb8;
	[tilespmem:$0x10400] =	vst v63  }
.LBB2_2:
0x19: {  	_ =	swait.ge [sflag:s19], $0x2000  }
0x1a: {  	[sflag:s19] =	ssyncset.done $0x0  }
0x1b: {  	[sflag:s19] =	ssyncadd.s32 $0xFFFFE000  }
0x1c: {  	_ =	swait.ge [sflag:s19], $0x2000  }
0x1d: {  	[sflag:s19] =	ssyncset.done $0x0  }
0x1e: {  	[sflag:s19] =	ssyncadd.s32 $0xFFFFE000  }
0x1f: {  	_ =	swait.ge [sflag:s19], $0x2000  }
0x20: {  	s0 =	sshllo.u32 s1, $0x1;
	[sflag:s19] =	ssyncset.done $0x0  }
0x21: {  	s14 =	sshll.u32 s0, $0x9;
	[sflag:s19] =	ssyncadd.s32 $0xFFFFE000  }
0x22: {  	s14 =	sadd.s32 s4, s14;
	_ =	swait.ge [sflag:s19], $0x2000  }
0x23: {  	s14 =	sshrl.u32 s14, $0x3;
	[sflag:s19] =	ssyncset.done $0x0  }
0x24: {  	s14 =	sadd.s32 s5, s14;
	[sflag:s19] =	ssyncadd.s32 $0xFFFFE000  }
0x25: {  	[tilespmem:s20], [sflag:$0x5] =	stream.linear.gather [hbm4b:s14+s3], $0x200, $0x38;
	[tilespmem:$0x10400] =	vst v63  }
0x26: {  	_ =	swait.ge [sflag:s11], $0x200  }
0x27: {  	p0 =	seq.s32 s1, $0x0;
	[sflag:s11] =	ssyncset.done $0x0  }
0x28: {  	s14 =	simm.s32 @!p0 $0x4;
	[sflag:s11] =	ssyncadd.s32 $0xFFFFFE00  }
0x29: {  	_ =	swait.ge @!p0 [sflag:s14], $0x8000  }
0x2a: {  	[sflag:s14] =	ssyncset.done @!p0 $0x0  }
0x2b: {  	[sflag:s14] =	ssyncadd.s32 @!p0 $0xFFFF8000  }
0x2c: {  	[tilespmem:s21], [sflag:$0x2] =	stream.indirect.gather [hbm4b:s6+s12], $0x40, s20, s12, $0xb8;
	[tilespmem:$0x10400] =	vst v63  }
0x2d: {  	_ = 	snop  }
0x2e: {  	[tilespmem:s23], [sflag:$0x2] =	stream.indirect.gather [hbm4b:s6+s12], $0x40, s22, s12, $0xb8;
	[tilespmem:$0x10400] =	vst v63  }
0x2f: {  	_ = 	snop  }
0x30: {  	[tilespmem:s25], [sflag:$0x2] =	stream.indirect.gather [hbm4b:s6+s12], $0x40, s24, s12, $0xb8;
	[tilespmem:$0x10400] =	vst v63  }
0x31: {  	s14 =	simm.s32 $0x0  }
0x32: {  	[tilespmem:s28], [sflag:$0x2] =	stream.indirect.gather [hbm4b:s6+s12], $0x40, s26, s12, $0xb8;
	[tilespmem:$0x10400] =	vst v63  }
0x33: {  	v0 =	vld [tilespmem:s14+$0x400]  }
0x34: {  	v1 =	vld [tilespmem:s14+$0x410]  }
0x35: {  	v2 =	vld [tilespmem:s14+$0x420]  }
0x36: {  	v3 =	vld [tilespmem:s14+$0x430]  }
0x37: {  	v4 =	vld [tilespmem:s14+$0x2400]  }
0x38: {  	v5 =	vld [tilespmem:s14+$0x2410];
	v0 =	vmul.f32 $8.000000000e+00, v0  }
0x39: {  	v6 =	vld [tilespmem:s14+$0x2420];
	v1 =	vmul.f32 $8.000000000e+00, v1  }
0x3a: {  	v7 =	vld [tilespmem:s14+$0x2430];
	[tilespmem:s14+$0x400] =	vst v0;
	v0 =	vmul.f32 $8.000000000e+00, v2  }
0x3b: {  	v8 =	vld [tilespmem:s14+$0x4400];
	[tilespmem:s14+$0x410] =	vst v1;
	v1 =	vmul.f32 $8.000000000e+00, v3  }
0x3c: {  	v9 =	vld [tilespmem:s14+$0x4410];
	[tilespmem:s14+$0x420] =	vst v0;
	v0 =	vmul.f32 $8.000000000e+00, v4  }
0x3d: {  	v2 =	vmul.f32 $8.000000000e+00, v5;
	[tilespmem:s14+$0x430] =	vst v1;
	v1 =	vld [tilespmem:s14+$0x4420]  }
0x3e: {  	v3 =	vmul.f32 $8.000000000e+00, v6;
	[tilespmem:s14+$0x2400] =	vst v0;
	v0 =	vld [tilespmem:s14+$0x4430]  }
0x3f: {  	[tilespmem:s14+$0x2410] =	vst v2;
	v2 =	vld [tilespmem:s14+$0x6400];
	v4 =	vmul.f32 $8.000000000e+00, v7  }
0x40: {  	v6 =	vmul.f32 $8.000000000e+00, v8;
	[tilespmem:s14+$0x2420] =	vst v3;
	v3 =	vld [tilespmem:s14+$0x6410]  }
0x41: {  	s15 =	simm.s32 $0x100;
	v5 =	vmul.f32 $8.000000000e+00, v9;
	[tilespmem:s14+$0x2430] =	vst v4;
	v4 =	vld [tilespmem:s14+$0x6420]  }
.LBB2_3:
0x42: {  	s16 =	sshra.s32 s15, $0x2;
	p0 =	sne.s32 s15, $0x7F00;
	[tilespmem:s14+$0x4400] =	vst v6;
	v1 =	vmul.f32 $8.000000000e+00, v1;
	v6 =	vld [tilespmem:s14+$0x6430]  }
0x43: {  	v7 =	vld [tilespmem:s16+$0x400];
	[tilespmem:s14+$0x4410] =	vst v5;
	v0 =	vmul.f32 $8.000000000e+00, v0  }
0x44: {  	v5 =	vld [tilespmem:s16+$0x410];
	[tilespmem:s14+$0x4420] =	vst v1;
	v1 =	vmul.f32 $8.000000000e+00, v2  }
0x45: {  	v2 =	vld [tilespmem:s16+$0x420];
	[tilespmem:s14+$0x4430] =	vst v0;
	v0 =	vmul.f32 $8.000000000e+00, v3  }
0x46: {  	v3 =	vld [tilespmem:s16+$0x430];
	[tilespmem:s14+$0x6400] =	vst v1;
	v1 =	vmul.f32 $8.000000000e+00, v4  }
0x47: {  	v4 =	vld [tilespmem:s16+$0x2400];
	[tilespmem:s14+$0x6410] =	vst v0;
	v0 =	vmul.f32 $8.000000000e+00, v6  }
0x48: {  	v6 =	vmul.f32 $8.000000000e+00, v7;
	v7 =	vld [tilespmem:s16+$0x2410];
	[tilespmem:s14+$0x6420] =	vst v1  }
0x49: {  	v1 =	vmul.f32 $8.000000000e+00, v5;
	v5 =	vld [tilespmem:s16+$0x2420];
	[tilespmem:s14+$0x6430] =	vst v0;
	s14 =	smov.u32 s16  }
0x4a: {  	[tilespmem:s14+$0x400] =	vst v6;
	v0 =	vmul.f32 $8.000000000e+00, v2;
	v2 =	vld [tilespmem:s14+$0x2430]  }
0x4b: {  	[tilespmem:s14+$0x410] =	vst v1;
	v1 =	vmul.f32 $8.000000000e+00, v3;
	v3 =	vld [tilespmem:s14+$0x4400]  }
0x4c: {  	[tilespmem:s14+$0x420] =	vst v0;
	v0 =	vmul.f32 $8.000000000e+00, v4;
	v4 =	vld [tilespmem:s14+$0x4410]  }
.Ltmp0:
0x4d: {  	[tilespmem:s14+$0x430] =	vst v1;
	v6 =	vmul.f32 $8.000000000e+00, v7;
	v1 =	vld [tilespmem:s14+$0x4420];
	(pc) =	sbr.rel @p0 .LBB2_3-.Ltmp0, $4  }
0x4e: {  	[tilespmem:s14+$0x2400] =	vst v0;
	v5 =	vmul.f32 $8.000000000e+00, v5;
	v0 =	vld [tilespmem:s14+$0x4430]  }
0x4f: {  	[tilespmem:s14+$0x2410] =	vst v6;
	v7 =	vmul.f32 $8.000000000e+00, v2;
	v2 =	vld [tilespmem:s14+$0x6400]  }
0x50: {  	[tilespmem:s14+$0x2420] =	vst v5;
	v6 =	vmul.f32 $8.000000000e+00, v3;
	v3 =	vld [tilespmem:s14+$0x6410]  }
0x51: {  	s15 =	sadd.s32 $0x100, s15;
	[tilespmem:s14+$0x2430] =	vst v7;
	v5 =	vmul.f32 $8.000000000e+00, v4;
	v4 =	vld [tilespmem:s14+$0x6420]  }
0x52: {  	[tilespmem:s14+$0x4400] =	vst v6;
	v1 =	vmul.f32 $8.000000000e+00, v1;
	v6 =	vld [tilespmem:s14+$0x6430]  }
0x53: {  	[tilespmem:s14+$0x4410] =	vst v5;
	v0 =	vmul.f32 $8.000000000e+00, v0  }
0x54: {  	[tilespmem:s14+$0x4420] =	vst v1;
	v1 =	vmul.f32 $8.000000000e+00, v2  }
0x55: {  	[tilespmem:s14+$0x4430] =	vst v0;
	v0 =	vmul.f32 $8.000000000e+00, v3  }
0x56: {  	s15 =	sshll.u32 s1, $0x10;
	[tilespmem:s14+$0x6400] =	vst v1;
	v1 =	vmul.f32 $8.000000000e+00, v4  }
0x57: {  	s15 =	sadd.s32 s8, s15;
	[tilespmem:s14+$0x6410] =	vst v0;
	v0 =	vmul.f32 $8.000000000e+00, v6  }
0x58: {  	s15 =	sshrl.u32 s15, $0x3;
	[tilespmem:s14+$0x6420] =	vst v1  }
0x59: {  	s16 =	sadd.s32 s2, s15;
	[tilespmem:s14+$0x6430] =	vst v0  }
0x5a: {  	[hbm4b:s16+s3] =	stream.linear.scatter [tilespmem:s13], [sflag:$0x3], $0x8000, $0x38;
	[tilespmem:$0x10400] =	vst v63  }
0x5b: {  	_ =	swait.ge [sflag:s29], $0x2000  }
0x5c: {  	[sflag:s29] =	ssyncset.done $0x0  }
0x5d: {  	[sflag:s29] =	ssyncadd.s32 $0xFFFFE000  }
0x5e: {  	_ =	swait.ge [sflag:s29], $0x2000  }
0x5f: {  	[sflag:s29] =	ssyncset.done $0x0  }
0x60: {  	[sflag:s29] =	ssyncadd.s32 $0xFFFFE000  }
0x61: {  	_ =	swait.ge [sflag:s29], $0x2000  }
0x62: {  	p0 =	seq.s32 s1, $0x63;
	[sflag:s29] =	ssyncset.done $0x0  }
0x63: {  	s14 =	sshll.u32 @!p0 s1, $0xA;
	[sflag:s29] =	ssyncadd.s32 $0xFFFFE000  }
0x64: {  	s14 =	sadd.s32 @!p0 s14, s9;
	_ =	swait.ge [sflag:s29], $0x2000  }
0x65: {  	s14 =	sshrl.u32 @!p0 s14, $0x3;
	[sflag:s29] =	ssyncset.done $0x0  }
0x66: {  	s15 =	simm.s32 @!p0 $0x0;
	s14 =	sadd.s32 @!p0 s5, s14;
	[sflag:s29] =	ssyncadd.s32 $0xFFFFE000  }
0x67: {  	[tilespmem:s15], [sflag:$0x5] =	stream.linear.gather @!p0 [hbm4b:s14+s15], $0x200, $0x38;
	[tilespmem:$0x10400] =	vst v63  }
0x68: {  	s14 =	simm.s32 @!p0 $0x5  }
0x69: {  	_ =	swait.ge @!p0 [sflag:s14], $0x200  }
0x6a: {  	[sflag:s14] =	ssyncset.done @!p0 $0x0  }
0x6b: {  	[sflag:s14] =	ssyncadd.s32 @!p0 $0xFFFFFE00;
	s14 =	simm.s32 @!p0 $0x3  }
0x6c: {  	_ =	swait.ge @!p0 [sflag:s14], $0x8000  }
0x6d: {  	[sflag:s14] =	ssyncset.done @!p0 $0x0  }
0x6e: {  	s16 =	simm.s32 @!p0 $0x400;
	[sflag:s14] =	ssyncadd.s32 @!p0 $0xFFFF8000;
	s14 =	simm.s32 @!p0 $0x80  }
0x6f: {  	[tilespmem:s16], [sflag:$0x1] =	stream.indirect.gather @!p0 [hbm4b:s6+s14], $0x40, s15, s14, $0xb8;
	[tilespmem:$0x10400] =	vst v63  }
0x70: {  	s15 =	simm.s32 @!p0 $0x2400  }
0x71: {  	[tilespmem:s15], [sflag:$0x1] =	stream.indirect.gather @!p0 [hbm4b:s6+s14], $0x40, s14, s14, $0xb8;
	[tilespmem:$0x10400] =	vst v63  }
0x72: {  	s16 =	simm.s32 @!p0 $0x4400;
	s15 =	simm.s32 @!p0 $0x100  }
0x73: {  	[tilespmem:s16], [sflag:$0x1] =	stream.indirect.gather @!p0 [hbm4b:s6+s14], $0x40, s15, s14, $0xb8;
	[tilespmem:$0x10400] =	vst v63  }
0x74: {  	s15 =	simm.s32 @!p0 $0x180;
	s16 =	simm.s32 @!p0 $0x6400  }
0x75: {  	[tilespmem:s16], [sflag:$0x1] =	stream.indirect.gather @!p0 [hbm4b:s6+s14], $0x40, s15, s14, $0xb8;
	[tilespmem:$0x10400] =	vst v63  }
0x76: {  	s14 =	simm.s32 $0x0  }
0x77: {  	v0 =	vld [tilespmem:s14+$0x8400]  }
0x78: {  	v1 =	vld [tilespmem:s14+$0x8410]  }
0x79: {  	v2 =	vld [tilespmem:s14+$0x8420]  }
0x7a: {  	v3 =	vld [tilespmem:s14+$0x8430]  }
0x7b: {  	v4 =	vld [tilespmem:s14+$0xA400]  }
0x7c: {  	v5 =	vld [tilespmem:s14+$0xA410];
	v0 =	vmul.f32 $8.000000000e+00, v0  }
0x7d: {  	v6 =	vld [tilespmem:s14+$0xA420];
	v1 =	vmul.f32 $8.000000000e+00, v1  }
0x7e: {  	v7 =	vld [tilespmem:s14+$0xA430];
	[tilespmem:s14+$0x8400] =	vst v0;
	v0 =	vmul.f32 $8.000000000e+00, v2  }
0x7f: {  	v8 =	vld [tilespmem:s14+$0xC400];
	[tilespmem:s14+$0x8410] =	vst v1;
	v1 =	vmul.f32 $8.000000000e+00, v3  }
0x80: {  	v9 =	vld [tilespmem:s14+$0xC410];
	[tilespmem:s14+$0x8420] =	vst v0;
	v0 =	vmul.f32 $8.000000000e+00, v4  }
0x81: {  	v2 =	vmul.f32 $8.000000000e+00, v5;
	[tilespmem:s14+$0x8430] =	vst v1;
	v1 =	vld [tilespmem:s14+$0xC420]  }
0x82: {  	v3 =	vmul.f32 $8.000000000e+00, v6;
	[tilespmem:s14+$0xA400] =	vst v0;
	v0 =	vld [tilespmem:s14+$0xC430]  }
0x83: {  	[tilespmem:s14+$0xA410] =	vst v2;
	v2 =	vld [tilespmem:s14+$0xE400];
	v4 =	vmul.f32 $8.000000000e+00, v7  }
0x84: {  	v6 =	vmul.f32 $8.000000000e+00, v8;
	[tilespmem:s14+$0xA420] =	vst v3;
	v3 =	vld [tilespmem:s14+$0xE410]  }
0x85: {  	s15 =	simm.s32 $0x100;
	v5 =	vmul.f32 $8.000000000e+00, v9;
	[tilespmem:s14+$0xA430] =	vst v4;
	v4 =	vld [tilespmem:s14+$0xE420]  }
.LBB2_5:
0x86: {  	s16 =	sshra.s32 s15, $0x2;
	p0 =	sne.s32 s15, $0x7F00;
	[tilespmem:s14+$0xC400] =	vst v6;
	v1 =	vmul.f32 $8.000000000e+00, v1;
	v6 =	vld [tilespmem:s14+$0xE430]  }
0x87: {  	v7 =	vld [tilespmem:s16+$0x8400];
	[tilespmem:s14+$0xC410] =	vst v5;
	v0 =	vmul.f32 $8.000000000e+00, v0  }
0x88: {  	v5 =	vld [tilespmem:s16+$0x8410];
	[tilespmem:s14+$0xC420] =	vst v1;
	v1 =	vmul.f32 $8.000000000e+00, v2  }
0x89: {  	v2 =	vld [tilespmem:s16+$0x8420];
	[tilespmem:s14+$0xC430] =	vst v0;
	v0 =	vmul.f32 $8.000000000e+00, v3  }
0x8a: {  	v3 =	vld [tilespmem:s16+$0x8430];
	[tilespmem:s14+$0xE400] =	vst v1;
	v1 =	vmul.f32 $8.000000000e+00, v4  }
0x8b: {  	v4 =	vld [tilespmem:s16+$0xA400];
	[tilespmem:s14+$0xE410] =	vst v0;
	v0 =	vmul.f32 $8.000000000e+00, v6  }
0x8c: {  	v6 =	vmul.f32 $8.000000000e+00, v7;
	v7 =	vld [tilespmem:s16+$0xA410];
	[tilespmem:s14+$0xE420] =	vst v1  }
0x8d: {  	v1 =	vmul.f32 $8.000000000e+00, v5;
	v5 =	vld [tilespmem:s16+$0xA420];
	[tilespmem:s14+$0xE430] =	vst v0;
	s14 =	smov.u32 s16  }
0x8e: {  	[tilespmem:s14+$0x8400] =	vst v6;
	v0 =	vmul.f32 $8.000000000e+00, v2;
	v2 =	vld [tilespmem:s14+$0xA430]  }
0x8f: {  	[tilespmem:s14+$0x8410] =	vst v1;
	v1 =	vmul.f32 $8.000000000e+00, v3;
	v3 =	vld [tilespmem:s14+$0xC400]  }
0x90: {  	[tilespmem:s14+$0x8420] =	vst v0;
	v0 =	vmul.f32 $8.000000000e+00, v4;
	v4 =	vld [tilespmem:s14+$0xC410]  }
.Ltmp1:
0x91: {  	[tilespmem:s14+$0x8430] =	vst v1;
	v6 =	vmul.f32 $8.000000000e+00, v7;
	v1 =	vld [tilespmem:s14+$0xC420];
	(pc) =	sbr.rel @p0 .LBB2_5-.Ltmp1, $4  }
0x92: {  	[tilespmem:s14+$0xA400] =	vst v0;
	v5 =	vmul.f32 $8.000000000e+00, v5;
	v0 =	vld [tilespmem:s14+$0xC430]  }
0x93: {  	[tilespmem:s14+$0xA410] =	vst v6;
	v7 =	vmul.f32 $8.000000000e+00, v2;
	v2 =	vld [tilespmem:s14+$0xE400]  }
0x94: {  	[tilespmem:s14+$0xA420] =	vst v5;
	v6 =	vmul.f32 $8.000000000e+00, v3;
	v3 =	vld [tilespmem:s14+$0xE410]  }
0x95: {  	s15 =	sadd.s32 $0x100, s15;
	[tilespmem:s14+$0xA430] =	vst v7;
	v5 =	vmul.f32 $8.000000000e+00, v4;
	v4 =	vld [tilespmem:s14+$0xE420]  }
0x96: {  	[tilespmem:s14+$0xC400] =	vst v6;
	v1 =	vmul.f32 $8.000000000e+00, v1;
	v59 =	vld [tilespmem:s14+$0xE430]  }
0x97: {  	[tilespmem:s14+$0xC410] =	vst v5;
	v0 =	vmul.f32 $8.000000000e+00, v0  }
0x98: {  	s1 =	sadd.s32 $0x1, s1;
	[tilespmem:s14+$0xC420] =	vst v1;
	v60 =	vmul.f32 $8.000000000e+00, v2  }
0x99: {  	p0 =	sne.s32 s1, $0x64;
	[tilespmem:s14+$0xC430] =	vst v0;
	v61 =	vmul.f32 $8.000000000e+00, v3  }
.Ltmp2:
0x9a: {  	s0 =	sshll.u32 s0, $0xF;
	[tilespmem:s14+$0xE400] =	vst v60;
	v62 =	vmul.f32 $8.000000000e+00, v4;
	(pc) =	sbr.rel @p0 .LBB2_2-.Ltmp2, $4  }
0x9b: {  	s0 =	sadd.s32 s8, s0;
	[tilespmem:s14+$0xE410] =	vst v61;
	v63 =	vmul.f32 $8.000000000e+00, v59  }
0x9c: {  	s0 =	sshrl.u32 s0, $0x3;
	[tilespmem:s14+$0xE420] =	vst v62  }
0x9d: {  	s0 =	sadd.s32 s2, s0;
	[tilespmem:s14+$0xE430] =	vst v63  }
0x9e: {  	[hbm4b:s0+s3] =	stream.linear.scatter [tilespmem:s21], [sflag:$0x4], $0x8000, $0x38;
	[tilespmem:$0x10400] =	vst v63  }
0x9f: {  	s31 =	sadd.s32 $0x1, s31  }
0xa0: {  	p0 =	sne.s32 s31, s10  }
.Ltmp3:
0xa1: {  	_ = 	snop;
	(pc) =	sbr.rel @p0 .LBB2_1-.Ltmp3, $4  }
0xa2: {  	_ = 	snop  }
0xa3: {  	_ =	swait.ge [sflag:s30], $0x8000  }
0xa4: {  	[sflag:s30] =	ssyncset.done $0x0  }
0xa5: {  	[sflag:s30] =	ssyncadd.s32 $0xFFFF8000  }
0xa6: {  	_ =	sfence.sel $0x180000  }
0xa7: {  	[bflag:$0x0] =	sbarrier.arrive $0xFFFF  }
0xa8: {  	_ =	strace $0x90000047  }
0xa9: {  	s0 =	stileid.u32;
	[bflag:$0x2] =	sbarrier.arrive $0xFFFF  }
0xaa: {  	p0 =	sne.s32 s0, $0x0;
	s0 =	rddreg [dreg:$0x2]  }
0xab: {  	s0 =	sadd.s32 @!p0 $0x100000, s0  }
0xac: {  	[sflag:s0] =	ssyncadd.tile.s32 @!p0 $0x1;
	_ =	shalt  }
.Lfunc_end2:
_tile_overlayer_lowered:
.L_overlay_start_2:
0xad: {  	(tag) =	ssettag $0x2  }
0xae: {  	s0 =	rddreg [dreg:$0x0];
	s2 =	stileid.u32  }
0xaf: {  	s1 =	rddreg [dreg:$0x1];
	p0 =	sne.s32 s2, $0x0  }
0xb0: {  	s3 =	rddreg [dreg:$0x2];
	[bflag:$0x3] =	sbarrier.arrive $0xFFFF;
	s2 =	simm.s32 @!p0 $0x1C05  }
0xb1: {  	[timem:s3], [sflag:s2] =	dma.local @!p0 [hbm:s0], s1  }
0xb2: {  	s0 =	simm.s32 @!p0 $0x5  }
0xb3: {  	_ =	swait.ge @!p0 [sflag:s0], s1  }
0xb4: {  	s1 =	ssub.s32 @!p0 $0x0, s1;
	[sflag:s0] =	ssyncset.done @!p0 $0x0  }
0xb5: {  	[sflag:s0] =	ssyncadd.s32 @!p0 s1  }
0xb6: {  	[bflag:$0x3] =	sbarrier.arrive $0xFFFF  }
0xb7: {  	_ =	shalt  }

// kernel: sparse-core-data-format-call.cloned.1.call-start
scs
called_computation_lowered:
.L_overlay_start_0:
0x0: {  	s2 =	sld [smem:$0x3FD9]  }
0x1: {  	s3 =	sld [smem:$0x3FFE];
	_ =	sdelay $0x1  }
0x2: {  	s1 =	srdreg.scid  }
0x3: {  	s0 =	sand.u32 $0x1, s1  }
0x4: {  	s18 =	sshll.u32 s0, $0xA;
	s2 =	sadd.s32 s3, s2  }
0x5: {  	s2 =	sadd.s32 s2, s18  }
0x6: {  	[smem:$0x3FC6] =	sst s2  }
0x7: {  	_ = 	snop  }
0x8: {  	s2 =	sld [smem:$0x3FD0];
	(tm) =	ssettm $0x1  }
0x9: {  	s19 =	sld [smem:$0x3FFB];
	_ =	sdelay $0x3  }
0xa: {  	_ =	strace s19  }
0xb: {  	s3 =	sld [smem:$0x3FFC];
	_ =	sdelay $0x3  }
0xc: {  	_ =	strace s3  }
0xd: {  	s3 =	sld [smem:$0x3FFD];
	_ =	sdelay $0x3  }
0xe: {  	_ =	strace s3  }
0xf: {  	_ =	strace $0x8FFFFFFF  }
0x10: {  	s20 =	sld [smem:$0x3FDB];
	_ =	sdelay $0x1  }
0x11: {  	s4 =	simm.s32 $_scs_section_size  }
0x12: {  	s5 =	simm.s32 $_size__tile_overlayer_lowered;
	s6 =	simm.s32 $_tile_overlayer_lowered  }
0x13: {  	s23 =	simm.s32 $0x1BFF;
	s22 =	sshll.u32 s6, $0x1;
	s3 =	sadd.s32 s4, s20  }
0x14: {  	s7 =	simm.s32 $0x0;
	s21 =	sshll.u32 s5, $0x1;
	s5 =	sadd.s32 s22, s3  }
0x15: {  	[timem:s7], [sflag:s23] =	dma.local [hbm:s5], s21  }
0x16: {  	_ =	swait.ge [sflag:s23], s21  }
0x17: {  	s4 =	ssub.s32 $0x0, s21;
	[sflag:s23] =	ssyncset.done $0x0  }
0x18: {  	[sflag:s23] =	ssyncadd.s32 s4;
	_ =	sdelay $0x1  }
0x19: {  	s24 =	simm.s32 $0x1B8B  }
0x1a: {  	_ =	swait.ge [sflag:s24], $0x1  }
0x1b: {  	[sflag:s24] =	ssyncset.done $0x0  }
0x1c: {  	s26 =	simm.s32 $0x1B8E;
	s25 =	sld [smem:$0x3FFE];
	[sflag:s24] =	ssyncadd.s32 $0xFFFFFFFF  }
0x1d: {  	s27 =	simm.s32 $execute0_lowered;
	[smem:$0x3FD2] =	sst s26  }
0x1e: {  	s5 =	sshll.u32 s27, $0x1;
	_ =	strace $0x80000049;
	[dreg:$0x1] =	wrdreg $0xFFFFFFFF  }
0x1f: {  	s28 =	simm.s32 $_size_execute0_lowered;
	s3 =	sadd.s32 s3, s5;
	[dreg:$0x0] =	wrdreg $0x0  }
0x20: {  	s5 =	sshll.u32 s28, $0x1;
	[dreg:$0x2] =	wrdreg s3  }
0x21: {  	[dreg:$0x3] =	wrdreg s5  }
0x22: {  	[dreg:$0x4] =	wrdreg $0xC0  }
0x23: {  	_ =	task [dreg:s7], $0x5FFFF  }
0x24: {  	[dreg:$0x1] =	wrdreg $0xFFFFFFFF  }
0x25: {  	[dreg:$0x0] =	wrdreg $0x60  }
0x26: {  	[dreg:$0x2] =	wrdreg s25  }
0x27: {  	[dreg:$0x3] =	wrdreg s2  }
0x28: {  	[dreg:$0x4] =	wrdreg $0x9  }
0x29: {  	_ =	task.clear_ibuf [dreg:s7], $0x5FFFF;
	_ =	strace $0x90000049  }
0x2a: {  	s29 =	simm.s32 $0x9;
	_ =	strace $0x8000004B  }
0x2b: {  	_ =	swait.ge [sflag:s29], $0x1  }
0x2c: {  	[sflag:s29] =	ssyncadd.s32 $0xFFFFFFFF  }
0x2d: {  	_ =	strace $0x9000004B  }
0x2e: {  	_ =	sfence  }
0x2f: {  	s30 =	sld [smem:$0x0];
	_ =	sdelay $0x2  }
0x30: {  	s31 =	sshll.u32 s1, $0xD;
	s1 =	sshrl.u32 s1, $0x2  }
0x31: {  	s3 =	sand.u32 $0x4000, s31;
	s1 =	sadd.s32 s1, s30  }
0x32: {  	s0 =	sor.u32 s3, s0;
	s1 =	sshll.u32 s1, $0x11  }
0x33: {  	s0 =	sor.u32 s1, s0  }
0x34: {  	s0 =	sadd.s32 $0x8F2B, s0  }
0x35: {  	[sflag:s0] =	ssyncadd.remote.s32 $0x1  }
0x36: {  	_ =	sfence.sel $0xFFFF  }
0x37: {  	[dreg:$0x0] =	wrdreg $0xFFFFFFFF;
	(pc) =	sbr.abs _section_cstart, $3  }
0x38: {  	[dreg:$0x1] =	wrdreg $0xFFFFFFFF  }
0x39: {  	_ =	task.clear_ibuf [dreg:s7], $0x2FFFF;
	_ =	strace $0x9FFFFFFF  }
0x3a: {  	(tm) =	ssettm $0x7FFFFFFF  }
0x3b: {  	_ =	shalt  }
tec
execute0_lowered:
.L_overlay_start_1:
0x0: {  	(tag) =	ssettag $0x1  }
0x1: {  	s0 =	srdreg.scid  }
0x2: {  	s1 =	sshll.u32 s0, $0x4  }
0x3: {  	s0 =	stileid.u32;
	s1 =	sand.u32 $0x10, s1  }
0x4: {  	s1 =	sor.u32 s0, s1  }
0x5: {  	s6 =	rddreg [dreg:$0x0];
	s4 =	simm.s32 $0x1;
	s2 =	sshll.u32 s1, $0x7  }
0x6: {  	s7 =	simm.s32 $0x2;
	s12 =	simm.s32 $0x0;
	s1 =	ssub.s32 $0x4000, s2  }
0x7: {  	s8 =	simm.s32 $0x20000;
	s13 =	simm.s32 $0x0;
	s3 =	sand.u32 $0xF80, s1  }
0x8: {  	s9 =	simm.s32 $0x0;
	s5 =	sshrl.u32 s1, $0xC;
	p0 =	sne.s32 s3, $0x0  }
.Ltmp0:
0x9: {  	s1 =	rddreg [dreg:$0x2];
	s4 =	simm.s32 @!p0 $0x0;
	(pc) =	sbr.rel .LBB1_1-.Ltmp0, $4  }
0xa: {  	s11 =	simm.s32 $0x0;
	s3 =	rddreg [dreg:$0x1];
	s5 =	sadd.s32 s4, s5  }
0xb: {  	_ =	strace $0x8000004A;
	s4 =	simm.s32 $0x1;
	s5 =	smul.u32 $0xC8, s5  }
0xc: {  	s6 =	sadd.s32 $0x800, s6;
	s10 =	smov.u32 s2;
	[sflag:s4] =	ssyncpa.u1 $0x0  }
0xd: {  	p0 =	por $0x0, $0x0;
	[sflag:s7] =	ssyncpa.u1 $0x0;
	s7 =	sor.u32 $0x1, s5  }
.LBB1_4:
0xe: {  	s16 =	sshll.u32 s13, $0x3;
	s17 =	sand.u32 $0x78, s13  }
0xf: {  	s30 =	sand.u32 $0x1F800, s13;
	s12 =	sshll.u32 s12, $0x11;
	s16 =	sand.u32 $0x3C00, s16  }
0x10: {  	[tilespmem:s15+$0x810 ss:$0x81] =	vst.msk $0xffff, v2;
	s31 =	sand.u32 $0x7, s13;
	s16 =	sor.u32 s17, s16;
	s17 =	sadd.s32 s3, s30  }
0x11: {  	[tilespmem:s15+$0x1020 ss:$0x81] =	vst.msk $0xffff, v0;
	s13 =	sshll.u32 s31, $0x12;
	s12 =	sadd.s32 s12, s17;
	s16 =	sshrl.u32 s16, $0x3  }
0x12: {  	[tilespmem:s15+$0x0 ss:$0x81] =	vst.msk $0xffff, v1;
	s13 =	sor.u32 $0x400, s13;
	s12 =	sadd.s32 s16, s12  }
0x13: {  	[hbm4b:s12+s13] =	stream.strided.scatter [tilespmem:s14], [sflag:$0x2], $0x2000, s8, s13, $0x20;
	[tilespmem:$0x8080] =	vst v63  }
.LBB1_5:
0x14: {  	s14 =	sadd.s32 $0x1, s9  }
0x15: {  	s12 =	sadd.s32 $0x1000, s10;
	s16 =	smov.u32 s10;
	p2 =	sgt.s32 s14, $0xC7  }
0x16: {  	s16 =	smov.u32 @p2 s12  }
0x17: {  	s14 =	simm.s32 @p2 $0x0;
	p2 =	sgt.s32 s16, $0x3FFF  }
0x18: {  	s16 =	smov.u32 @p2 s2;
	p2 =	sne.s32 s11, s7  }
.Ltmp1:
0x19: {  	p1 =	slt.u32 s11, $0x2;
	(pc) =	sbr.rel @!p2 .LBB1_6-.Ltmp1, $4  }
0x1a: {  	s15 =	simm.s32 @!p1 $0x2  }
0x1b: {  	s13 =	smov.u32 s10;
	p0 =	por !p0, !p0;
	_ =	swait.ge @!p1 [sflag:s15], $0x2000  }
0x1c: {  	s12 =	smov.u32 s9;
	[sflag:s15] =	ssyncset.done @!p1 $0x0;
	s9 =	smov.u32 s14  }
0x1d: {  	s11 =	sadd.s32 $0x1, s11;
	[sflag:s15] =	ssyncadd.s32 @!p1 $0xFFFFE000;
	s10 =	smov.u32 s16  }
.LBB1_1:
0x1e: {  	p1 =	sge.u32 s11, s5  }
0x1f: {  	s14 =	sand.u32 @!p1 $0x1FFFFFF, s9  }
0x20: {  	s15 =	smulhi.u32 @!p1 $0x147AE15, s14;
	_ =	sdelay $0x1  }
0x21: {  	s15 =	smul.u32 @!p1 $0xC8, s15  }
0x22: {  	s16 =	sxor.u32 @!p1 $0xFFFFFFFF, s11;
	s17 =	smul.u32 @!p1 $0xC80, s10  }
0x23: {  	s31 =	sadd.s32 $0xFFFFFFFF, s11;
	s16 =	sshll.u32 @!p1 s16, $0xD;
	s14 =	ssub.s32 @!p1 s14, s15  }
0x24: {  	s15 =	sand.u32 @!p1 $0x2000, s16;
	s16 =	sadd.s32 @!p1 s6, s17;
	s14 =	sshll.u32 @!p1 s14, $0x4  }
0x25: {  	s17 =	simm.s32 @!p1 $0x6400;
	s14 =	sadd.s32 @!p1 s14, s16;
	s16 =	simm.s32 @!p1 $0x40  }
0x26: {  	[tilespmem:s15], [sflag:$0x1] =	stream.strided.gather @!p1 [hbm4b:s14+s16], $0x2000, s17, s16, $0x38;
	[tilespmem:$0x8080] =	vst v63  }
0x27: {  	p1 =	sge.u32 s31, s5  }
.Ltmp2:
0x28: {  	_ = 	snop;
	(pc) =	sbr.rel @p1 .LBB1_5-.Ltmp2, $1  }
0x29: {  	_ =	sdelay $0x3  }
0x2a: {  	s14 =	simm.s32 $0x1  }
0x2b: {  	_ =	swait.ge [sflag:s4], $0x2000;
	s14 =	simm.s32 @!p0 $0x0  }
0x2c: {  	[sflag:s4] =	ssyncset.done $0x0;
	s15 =	sshll.u32 s14, $0xD  }
0x2d: {  	[sflag:s4] =	ssyncadd.s32 $0xFFFFE000;
	s18 =	sor.u32 $0x20, s15  }
0x2e: {  	s14 =	smul.u32 $0x8100, s14;
	v3 =	vld [tilespmem:s18+$0x10]  }
0x2f: {  	s30 =	sand.u32 $0x1, s11;
	v2 =	vld [tilespmem:s18+$0xFFFFFFF0]  }
0x30: {  	s15 =	smul.u32 $0x8100, s30;
	s14 =	sshrl.u32 s14, $0x2;
	v0 =	vld [tilespmem:s18+$0x0]  }
0x31: {  	v1 =	vld [tilespmem:s18+$0xFFFFFFE0];
	s16 =	sor.u32 $0x4000, s14  }
0x32: {  	s31 =	sshrl.u32 s15, $0x2;
	s15 =	sadd.s32 $0x0, s16  }
0x33: {  	s17 =	simm.s32 $0x4;
	s18 =	sadd.s32 $0x40, s18;
	s14 =	sor.u32 $0x4000, s31;
	[tilespmem:s15+$0x1830 ss:$0x81] =	vst.msk $0xffff, v3  }
.LBB1_3:
0x34: {  	v3 =	vld [tilespmem:s18+$0x10];
	p1 =	sne.s32 s17, $0x1FC;
	[tilespmem:s15+$0x810 ss:$0x81] =	vst.msk $0xffff, v2;
	s19 =	smov.u32 s17;
	s17 =	sadd.s32 $0x4, s17  }
.Ltmp3:
0x35: {  	v2 =	vld [tilespmem:s18+$0xFFFFFFF0];
	[tilespmem:s15+$0x1020 ss:$0x81] =	vst.msk $0xffff, v0;
	(pc) =	sbr.rel @p1 .LBB1_3-.Ltmp3, $4  }
0x36: {  	v0 =	vld [tilespmem:s18+$0x0];
	[tilespmem:s15+$0x0 ss:$0x81] =	vst.msk $0xffff, v1  }
0x37: {  	s15 =	sshra.s32 s19, $0x2;
	v1 =	vld [tilespmem:s18+$0xFFFFFFE0]  }
0x38: {  	s15 =	sadd.s32 s15, s16  }
0x39: {  	s18 =	sadd.s32 $0x40, s18;
	[tilespmem:s15+$0x1830 ss:$0x81] =	vst.msk $0xffff, v3  }
.Ltmp4:
0x3a: {  	_ = 	snop;
	(pc) =	sbr.rel .LBB1_4-.Ltmp4, $1  }
0x3b: {  	_ =	sdelay $0x3  }
.LBB1_6:
0x3c: {  	_ =	sfence.sel $0x180000  }
0x3d: {  	s2 =	simm.s32 $0x1;
	[bflag:$0x0] =	sbarrier.arrive $0xFFFF  }
0x3e: {  	s31 =	simm.s32 $0x2;
	[sflag:s2] =	ssyncpa.u1 $0x1  }
0x3f: {  	[sflag:s31] =	ssyncpa.u1 $0x1  }
0x40: {  	p0 =	sne.s32 s0, $0x0;
	_ =	strace $0x9000004A  }
0x41: {  	s0 =	sadd.s32 @!p0 $0x100000, s1;
	[bflag:$0x2] =	sbarrier.arrive $0xFFFF  }
0x42: {  	[sflag:s0] =	ssyncadd.tile.s32 @!p0 $0x1;
	_ =	shalt  }
.Lfunc_end1:
_tile_overlayer_lowered:
.L_overlay_start_2:
0x43: {  	(tag) =	ssettag $0x2  }
0x44: {  	s0 =	rddreg [dreg:$0x0];
	s2 =	stileid.u32  }
0x45: {  	s1 =	rddreg [dreg:$0x1];
	p0 =	sne.s32 s2, $0x0  }
0x46: {  	s3 =	rddreg [dreg:$0x2];
	[bflag:$0x3] =	sbarrier.arrive $0xFFFF;
	s2 =	simm.s32 @!p0 $0x1C01  }
0x47: {  	[timem:s3], [sflag:s2] =	dma.local @!p0 [hbm:s0], s1  }
0x48: {  	s0 =	simm.s32 @!p0 $0x1  }
0x49: {  	_ =	swait.ge @!p0 [sflag:s0], s1  }
0x4a: {  	s1 =	ssub.s32 @!p0 $0x0, s1;
	[sflag:s0] =	ssyncset.done @!p0 $0x0  }
0x4b: {  	[sflag:s0] =	ssyncadd.s32 @!p0 s1  }
0x4c: {  	[bflag:$0x3] =	sbarrier.arrive $0xFFFF  }
0x4d: {  	_ =	shalt  }

</sc_bundles>
